<compile_context>
chip_gen: v7x
topology: tpu7x:2x2x1
jax: 0.10.2.dev20260603
libtpu: 0.0.44.dev20260713+nightly
codegen_flags: <defaults>
</compile_context>

<pallas_src>
import functools

import jax
import jax.numpy as jnp
from jax import lax
from jax.experimental import pallas as pl
from jax.experimental.pallas import tpu as pltpu
from jax.experimental.pallas import tpu_sc as plsc

N = 10000
E = 320000
D = 128
HID = 64
HEADS = 4
OUT = 32
NEG_SLOPE = 0.2
LN_EPS = 1e-5

NC = 2
NS = 16
NW = NC * NS
CH = 128
E1 = E + N
PT = 10368
EPAD = PT * NW
NACC = 12032
STR = NACC // NS
BE = 2048
BN = 1000
W128 = 128

_f32 = jnp.float32


def _make_gather():
    nch = PT // CH
    mesh = plsc.VectorSubcoreMesh(core_axis_name="c", subcore_axis_name="s")

    @functools.partial(
        pl.kernel,
        mesh=mesh,
        out_type=(
            jax.ShapeDtypeStruct((EPAD, W128), _f32),
            jax.ShapeDtypeStruct((EPAD, W128), _f32),
        ),
        scratch_types=[
            pltpu.VMEM((CH,), jnp.int32),
            pltpu.VMEM((CH,), jnp.int32),
            pltpu.VMEM((CH, W128), _f32),
            pltpu.VMEM((CH, W128), _f32),
            pltpu.SemaphoreType.DMA,
            pltpu.SemaphoreType.DMA,
        ],
    )
    def gather_k(tab_hbm, src_hbm, dst_hbm, xj_out, xi_out,
                 idxs_v, idxd_v, xj_v, xi_v, sem_a, sem_b):
        wid = lax.axis_index("s") * NC + lax.axis_index("c")

        def body(k, carry):
            base = wid * PT + k * CH
            pltpu.sync_copy(src_hbm.at[pl.ds(base, CH)], idxs_v)
            pltpu.sync_copy(dst_hbm.at[pl.ds(base, CH)], idxd_v)
            cp_a = pltpu.async_copy(tab_hbm.at[idxs_v], xj_v, sem_a)
            cp_b = pltpu.async_copy(tab_hbm.at[idxd_v], xi_v, sem_b)
            cp_a.wait()
            cp_b.wait()
            pltpu.sync_copy(xj_v, xj_out.at[pl.ds(base, CH)])
            pltpu.sync_copy(xi_v, xi_out.at[pl.ds(base, CH)])
            return carry

        lax.fori_loop(0, nch, body, 0)

    return gather_k


def _make_scatter():
    nch = PT // CH
    mesh = plsc.VectorSubcoreMesh(core_axis_name="c", subcore_axis_name="s")

    @functools.partial(
        pl.kernel,
        mesh=mesh,
        out_type=jax.ShapeDtypeStruct((NC, NACC, W128), _f32),
        scratch_types=[
            pltpu.VMEM((CH,), jnp.int32),
            pltpu.VMEM((CH, W128), _f32),
            pltpu.VMEM_SHARED((NACC, W128), _f32),
        ],
    )
    def scatter_k(rows_hbm, dst_hbm, zero_hbm, out_acc, idx_v, rows_v, acc):
        cid = lax.axis_index("c")
        sid = lax.axis_index("s")
        wid = sid * NC + cid
        r0 = sid * STR
        pltpu.sync_copy(zero_hbm.at[pl.ds(r0, STR)], acc.at[pl.ds(r0, STR)])
        plsc.subcore_barrier()

        def body(k, carry):
            base = wid * PT + k * CH
            pltpu.sync_copy(dst_hbm.at[pl.ds(base, CH)], idx_v)
            pltpu.sync_copy(rows_hbm.at[pl.ds(base, CH)], rows_v)
            pltpu.sync_copy(rows_v, acc.at[idx_v], add=True)
            return carry

        lax.fori_loop(0, nch, body, 0)
        plsc.subcore_barrier()
        pltpu.sync_copy(acc.at[pl.ds(r0, STR)], out_acc.at[cid, pl.ds(r0, STR)])

    return scatter_k


def _dot(a, b):
    return jnp.dot(a, b, preferred_element_type=_f32)


def _proj1_body(x_ref, wcat_ref, acat_ref, tab_ref, p_ref):
    t = _dot(x_ref[...], wcat_ref[...])
    tab_ref[...] = t
    p_ref[...] = _dot(jnp.abs(t), acat_ref[...])


def _proj1(x, wcat, acat):
    return pl.pallas_call(
        _proj1_body,
        grid=(N // BN,),
        in_specs=[
            pl.BlockSpec((BN, D), lambda i: (i, 0)),
            pl.BlockSpec((D, W128), lambda i: (0, 0)),
            pl.BlockSpec((W128, 16), lambda i: (0, 0)),
        ],
        out_specs=[
            pl.BlockSpec((BN, W128), lambda i: (i, 0)),
            pl.BlockSpec((BN, 16), lambda i: (i, 0)),
        ],
        out_shape=[
            jax.ShapeDtypeStruct((N, W128), _f32),
            jax.ShapeDtypeStruct((N, 16), _f32),
        ],
    )(x, wcat, acat)


def _edge_body(xj_ref, xi_ref, asig_ref, r128_ref, q128_ref, b_ref, rv_ref,
               *, C):
    xj = xj_ref[...]
    t = xj[:, 0:C] + xi_ref[:, C:2 * C]
    s = jnp.where(t > 0, t, NEG_SLOPE * t)
    alpha = _dot(s, asig_ref[...])
    e = jnp.exp(alpha - b_ref[...])
    rv_ref[...] = xj * _dot(e, r128_ref[...]) + _dot(e, q128_ref[...])


def _edge(xj, xi, asig, r128, q128, bvec, C):
    return pl.pallas_call(
        functools.partial(_edge_body, C=C),
        grid=(EPAD // BE,),
        in_specs=[
            pl.BlockSpec((BE, W128), lambda i: (i, 0)),
            pl.BlockSpec((BE, W128), lambda i: (i, 0)),
            pl.BlockSpec((C, 4), lambda i: (0, 0)),
            pl.BlockSpec((4, W128), lambda i: (0, 0)),
            pl.BlockSpec((4, W128), lambda i: (0, 0)),
            pl.BlockSpec((1, 4), lambda i: (0, 0)),
        ],
        out_specs=pl.BlockSpec((BE, W128), lambda i: (i, 0)),
        out_shape=jax.ShapeDtypeStruct((EPAD, W128), _f32),
    )(xj, xi, asig, r128, q128, bvec)


def _mid_body(acc_ref, rrep_ref, b1_ref, g1_ref, be1_ref, w2cat_ref,
              a2cat_ref, tab2_ref, p2_ref):
    num = acc_ref[0, :, 0:HID] + acc_ref[1, :, 0:HID]
    den = acc_ref[0, :, HID:HID + 4] + acc_ref[1, :, HID:HID + 4]
    h = num / (_dot(den, rrep_ref[...]) + 1e-16) + b1_ref[...]
    mu = jnp.mean(h, axis=-1, keepdims=True)
    dlt = h - mu
    var = jnp.mean(dlt * dlt, axis=-1, keepdims=True)
    hn = dlt * lax.rsqrt(var + LN_EPS) * g1_ref[...] + be1_ref[...]
    he = jnp.where(hn > 0, hn, jnp.exp(hn) - 1.0)
    t2 = _dot(he, w2cat_ref[...])
    tab2_ref[...] = t2
    p2_ref[...] = _dot(jnp.abs(t2), a2cat_ref[...])


def _mid(acc, rrep, b1, g1, be1, w2cat, a2cat):
    return pl.pallas_call(
        _mid_body,
        grid=(N // BN,),
        in_specs=[
            pl.BlockSpec((NC, BN, W128), lambda i: (0, i, 0)),
            pl.BlockSpec((4, HID), lambda i: (0, 0)),
            pl.BlockSpec((1, HID), lambda i: (0, 0)),
            pl.BlockSpec((1, HID), lambda i: (0, 0)),
            pl.BlockSpec((1, HID), lambda i: (0, 0)),
            pl.BlockSpec((HID, W128), lambda i: (0, 0)),
            pl.BlockSpec((W128, 16), lambda i: (0, 0)),
        ],
        out_specs=[
            pl.BlockSpec((BN, W128), lambda i: (i, 0)),
            pl.BlockSpec((BN, 16), lambda i: (i, 0)),
        ],
        out_shape=[
            jax.ShapeDtypeStruct((N, W128), _f32),
            jax.ShapeDtypeStruct((N, 16), _f32),
        ],
    )(acc, rrep, b1, g1, be1, w2cat, a2cat)


def _final_body(acc_ref, b2_ref, g2_ref, be2_ref, out_ref):
    num = acc_ref[0, :, 0:OUT] + acc_ref[1, :, 0:OUT]
    den = acc_ref[0, :, OUT:OUT + 1] + acc_ref[1, :, OUT:OUT + 1]
    h = num / (den + 1e-16) + b2_ref[...]
    mu = jnp.mean(h, axis=-1, keepdims=True)
    dlt = h - mu
    var = jnp.mean(dlt * dlt, axis=-1, keepdims=True)
    out_ref[...] = dlt * lax.rsqrt(var + LN_EPS) * g2_ref[...] + be2_ref[...]


def _final(acc, b2, g2, be2):
    return pl.pallas_call(
        _final_body,
        grid=(N // BN,),
        in_specs=[
            pl.BlockSpec((NC, BN, W128), lambda i: (0, i, 0)),
            pl.BlockSpec((1, OUT), lambda i: (0, 0)),
            pl.BlockSpec((1, OUT), lambda i: (0, 0)),
            pl.BlockSpec((1, OUT), lambda i: (0, 0)),
        ],
        out_specs=pl.BlockSpec((BN, OUT), lambda i: (i, 0)),
        out_shape=jax.ShapeDtypeStruct((N, OUT), _f32),
    )(acc, b2, g2, be2)


def kernel(x, edge_index, Wl1, Wr1, att1, b1, g1, be1,
           Wl2, Wr2, att2, b2, g2, be2):
    f32 = _f32
    loop = jnp.arange(N, dtype=jnp.int32)
    pad = EPAD - E1
    src = jnp.concatenate([edge_index[0], loop,
                           jnp.zeros((pad,), jnp.int32)])
    dst = jnp.concatenate([edge_index[1], loop,
                           jnp.full((pad,), N, jnp.int32)])

    mask = jnp.repeat(jnp.eye(HEADS, dtype=f32), HID // HEADS, axis=0)
    aabs1 = mask * jnp.abs(att1).reshape(HID, 1)
    z64_8 = jnp.zeros((HID, 8), f32)
    z64_4 = jnp.zeros((HID, 4), f32)
    acat1 = jnp.concatenate([
        jnp.concatenate([aabs1, z64_4, z64_8], axis=1),
        jnp.concatenate([z64_4, aabs1, z64_8], axis=1),
    ], axis=0)
    w1cat = jnp.concatenate([Wl1, Wr1], axis=1)
    asig1 = mask * att1.reshape(HID, 1)
    r128_1 = jnp.concatenate([mask.T, jnp.zeros((4, HID), f32)], axis=1)
    q128_1 = jnp.zeros((4, W128), f32).at[
        jnp.arange(4), HID + jnp.arange(4)].set(1.0)
    rrep1 = mask.T

    a2abs = jnp.abs(att2).reshape(OUT, 1)
    z32 = jnp.zeros((OUT, 1), f32)
    acat2 = jnp.concatenate([
        jnp.concatenate([a2abs] + [z32] * 15, axis=1),
        jnp.concatenate([z32] * 4 + [a2abs] + [z32] * 11, axis=1),
        jnp.zeros((HID, 16), f32),
    ], axis=0)
    w2cat = jnp.concatenate([Wl2, Wr2, jnp.zeros((HID, HID), f32)], axis=1)
    asig2 = jnp.concatenate([att2.reshape(OUT, 1),
                             jnp.zeros((OUT, 3), f32)], axis=1)
    r128_2 = jnp.zeros((4, W128), f32).at[0, 0:OUT].set(1.0)
    q128_2 = jnp.zeros((4, W128), f32).at[0, OUT].set(1.0)

    zacc = jnp.zeros((NACC, W128), f32)
    gather = _make_gather()
    scatter = _make_scatter()

    tab1, p1 = _proj1(x, w1cat, acat1)
    bvec1 = (jnp.max(p1[:, 0:4], axis=0) + jnp.max(p1[:, 4:8], axis=0)
             ).reshape(1, 4)
    xj1, xi1 = gather(tab1, src, dst)
    rv1 = _edge(xj1, xi1, asig1, r128_1, q128_1, bvec1, HID)
    acc1 = scatter(rv1, dst, zacc)
    tab2, p2 = _mid(acc1, rrep1, b1.reshape(1, HID),
                    g1.reshape(1, HID), be1.reshape(1, HID), w2cat, acat2)

    b2s = jnp.max(p2[:, 0], axis=0) + jnp.max(p2[:, 4], axis=0)
    bvec2 = jnp.concatenate([b2s.reshape(1, 1), jnp.zeros((1, 3), f32)], 1)
    xj2, xi2 = gather(tab2, src, dst)
    rv2 = _edge(xj2, xi2, asig2, r128_2, q128_2, bvec2, OUT)
    acc2 = scatter(rv2, dst, zacc)
    return _final(acc2, b2.reshape(1, OUT), g2.reshape(1, OUT),
                  be2.reshape(1, OUT))

# --- scband reference (transcript-rebuilt; emitter-appended) ---
"""Pipeline reference for scband-gnnencoder-57982058496233 (READ-ONLY COPY).

The authoritative reference and input builder live on the scoring server;
editing this copy changes nothing except your own understanding.
"""

import jax, jax.numpy as jnp
import numpy as np

N = 10000
E = 320000
D = 128
HID = 64
HEADS = 4
OUT = 32
NEG_SLOPE = 0.2
LN_EPS = 1e-5


def glorot(key, shape):
    fan_in, fan_out = shape[0], shape[-1]
    s = jnp.sqrt(6.0 / (fan_in + fan_out))
    return jax.random.uniform(key, shape, dtype=jnp.float32, minval=-s, maxval=s)


def setup_inputs(seed: int = 0) -> dict:
    key = jax.random.key(seed)
    ks = jax.random.split(key, 16)
    x = jax.random.normal(ks[0], (N, D), dtype=jnp.float32)
    edge_index = jax.random.randint(ks[1], (2, E), 0, N, dtype=jnp.int32)
    # conv1: GATv2Conv(128 -> 16 per head, heads=4, concat -> 64)
    Wl1 = glorot(ks[2], (D, HEADS * (HID // HEADS)))
    Wr1 = glorot(ks[3], (D, HEADS * (HID // HEADS)))
    att1 = glorot(ks[4], (HEADS, HID // HEADS))
    b1 = jnp.zeros((HID,), dtype=jnp.float32)
    # norm1
    g1 = jnp.ones((HID,), dtype=jnp.float32)
    be1 = jnp.zeros((HID,), dtype=jnp.float32)
    # conv2: GATv2Conv(64 -> 32, heads=1)
    Wl2 = glorot(ks[5], (HID, OUT))
    Wr2 = glorot(ks[6], (HID, OUT))
    att2 = glorot(ks[7], (1, OUT))
    b2 = jnp.zeros((OUT,), dtype=jnp.float32)
    # norm2
    g2 = jnp.ones((OUT,), dtype=jnp.float32)
    be2 = jnp.zeros((OUT,), dtype=jnp.float32)
    return {"x": x, "edge_index": edge_index, "Wl1": Wl1, "Wr1": Wr1, "att1": att1, "b1": b1,
            "g1": g1, "be1": be1, "Wl2": Wl2, "Wr2": Wr2, "att2": att2, "b2": b2,
            "g2": g2, "be2": be2}


def _gatv2_conv(x, edge_index, Wl, Wr, att, bias, heads, out_ch):
    n = x.shape[0]
    # add_self_loops=True (PyG default)
    loop = jnp.arange(n, dtype=edge_index.dtype)
    src = jnp.concatenate([edge_index[0], loop])
    dst = jnp.concatenate([edge_index[1], loop])
    xl = (x @ Wl).reshape(n, heads, out_ch)  # source-side (lin_l)
    xr = (x @ Wr).reshape(n, heads, out_ch)  # target-side (lin_r)
    xj = jnp.take(xl, src, axis=0)  # [E', H, C]
    xi = jnp.take(xr, dst, axis=0)  # [E', H, C]
    s = jax.nn.leaky_relu(xj + xi, negative_slope=NEG_SLOPE)
    alpha = jnp.sum(s * att[None, :, :], axis=-1)  # [E', H]
    # segment softmax over edges incident to each dst node
    amax = jax.ops.segment_max(alpha, dst, num_segments=n)  # [N, H]
    alpha = jnp.exp(alpha - jnp.take(amax, dst, axis=0))
    denom = jax.ops.segment_sum(alpha, dst, num_segments=n)  # [N, H]
    alpha = alpha / (jnp.take(denom, dst, axis=0) + 1e-16)
    out = jax.ops.segment_sum(xj * alpha[:, :, None], dst, num_segments=n)  # [N, H, C]
    return out.reshape(n, heads * out_ch) + bias


def _layernorm(x, gamma, beta):
    mu = jnp.mean(x, axis=-1, keepdims=True)
    var = jnp.mean((x - mu) ** 2, axis=-1, keepdims=True)
    return (x - mu) / jnp.sqrt(var + LN_EPS) * gamma + beta


def reference(x, edge_index, Wl1, Wr1, att1, b1, g1, be1, Wl2, Wr2, att2, b2, g2, be2):
    h = _gatv2_conv(x, edge_index, Wl1, Wr1, att1, b1, HEADS, HID // HEADS)
    h = _layernorm(h, g1, be1)
    h = jax.nn.elu(h)
    h = _gatv2_conv(h, edge_index, Wl2, Wr2, att2, b2, 1, OUT)
    h = _layernorm(h, g2, be2)
    return h

if __name__ == "__main__":
    import jax
    _d = setup_inputs()
    print(jax.jit(kernel)(*tuple(_d.values())))

</pallas_src>

<mosaic_0001>
#map = affine_map<(d0, d1) -> (0, 0)>
#map1 = affine_map<(d0, d1) -> (0)>
#map2 = affine_map<(d0, d1) -> (0, 0, 0)>
module attributes {stable_mosaic.version = 14 : i64} {
  func.func @scatter_k(%arg0: i32, %arg1: i32, %arg2: memref<331776x128xf32, #tpu.memory_space<hbm>>, %arg3: memref<331776xi32, #tpu.memory_space<hbm>>, %arg4: memref<12032x128xf32, #tpu.memory_space<hbm>>, %arg5: memref<2x12032x128xf32, #tpu.memory_space<hbm>>, %arg6: memref<128xi32, #tpu.memory_space<vmem>>, %arg7: memref<128x128xf32, #tpu.memory_space<vmem>>, %arg8: memref<12032x128xf32, #tpu.memory_space<vmem_shared>>) attributes {dimension_semantics = [#tpu.dimension_semantics<core_parallel>, #tpu.dimension_semantics<subcore_parallel>], iteration_bounds = array<i64: 2, 16>, scalar_prefetch = 0 : i64, scratch_operands = 3 : i64, tpu.core_type = #tpu.core_type<sc_vector_subcore>, window_params = [{transform_indices = #map}, {transform_indices = #map1}, {transform_indices = #map}, {transform_indices = #map2}]} {
    %mul3A = arith.constant 2 : i32
    %mul3A_0 = arith.muli %arg1, %mul3A : i32
    %add3A = arith.addi %mul3A_0, %arg0 : i32
    %mul3A_1 = arith.constant 752 : i32
    %mul3A_2 = arith.muli %arg1, %mul3A_1 : i32
    "tpu.region"() ({
      %run_scoped3A = tpu.sem_alloc : memref<!tpu.dma_semaphore, #tpu.memory_space<semaphore_mem>>
      %dma_start3A = arith.constant 0 : i32
      %dma_start3A_9 = tpu.memref_slice %arg8[%mul3A_2, %dma_start3A] : memref<12032x128xf32, #tpu.memory_space<vmem_shared>> -> memref<752x128xf32, #tpu.memory_space<vmem_shared>>
      %dma_start3A_10 = arith.constant 0 : i32
      %dma_start3A_11 = tpu.memref_slice %arg4[%mul3A_2, %dma_start3A_10] : memref<12032x128xf32, #tpu.memory_space<hbm>> -> memref<752x128xf32, #tpu.memory_space<hbm>>
      tpu.enqueue_dma source(%dma_start3A_11 : memref<752x128xf32, #tpu.memory_space<hbm>>) target(%dma_start3A_9 : memref<752x128xf32, #tpu.memory_space<vmem_shared>>) target_semaphore(%run_scoped3A : memref<!tpu.dma_semaphore, #tpu.memory_space<semaphore_mem>>)
      %dma_wait3A = arith.constant 0 : i32
      %dma_wait3A_12 = tpu.memref_slice %arg8[%mul3A_2, %dma_wait3A] : memref<12032x128xf32, #tpu.memory_space<vmem_shared>> -> memref<752x128xf32, #tpu.memory_space<vmem_shared>>
      %dma_wait3A_13 = arith.constant 0 : i32
      %dma_wait3A_14 = tpu.memref_slice %arg4[%mul3A_2, %dma_wait3A_13] : memref<12032x128xf32, #tpu.memory_space<hbm>> -> memref<752x128xf32, #tpu.memory_space<hbm>>
      tpu.wait_dma2 semaphore(%run_scoped3A : memref<!tpu.dma_semaphore, #tpu.memory_space<semaphore_mem>>) src(%dma_wait3A_14 : memref<752x128xf32, #tpu.memory_space<hbm>>) dst(%dma_wait3A_12 : memref<752x128xf32, #tpu.memory_space<vmem_shared>>)
      tpu.yield
    }) : () -> ()
    %barrier3A = arith.constant 0 : index
    tpu.barrier barrier_id(%barrier3A)
    %scan3A = arith.constant 0 : i32
    %scan3A_3 = arith.constant 0 : i32
    %scan3A_4 = arith.constant 81 : i32
    %scan3A_5 = arith.addi %scan3A_3, %scan3A_4 : i32
    %scan3A_6 = arith.constant 1 : i32
    scf.for %scan3A_9 = %scan3A_3 to %scan3A_5 step %scan3A_6  : i32 {
      %mul3A_10 = arith.constant 10368 : i32
      %mul3A_11 = arith.muli %add3A, %mul3A_10 : i32
      %mul3A_12 = arith.constant 128 : i32
      %mul3A_13 = arith.muli %scan3A_9, %mul3A_12 : i32
      %add3A_14 = arith.addi %mul3A_11, %mul3A_13 : i32
      "tpu.region"() ({
        %run_scoped3A = tpu.sem_alloc : memref<!tpu.dma_semaphore, #tpu.memory_space<semaphore_mem>>
        %dma_start3A = tpu.memref_slice %arg3[%add3A_14] : memref<331776xi32, #tpu.memory_space<hbm>> -> memref<128xi32, #tpu.memory_space<hbm>>
        %dma_start3A_15 = tpu.memref_slice %arg3[%add3A_14] : memref<331776xi32, #tpu.memory_space<hbm>> -> memref<128xi32, #tpu.memory_space<hbm>>
        tpu.enqueue_dma source(%dma_start3A_15 : memref<128xi32, #tpu.memory_space<hbm>>) target(%arg6 : memref<128xi32, #tpu.memory_space<vmem>>) target_semaphore(%run_scoped3A : memref<!tpu.dma_semaphore, #tpu.memory_space<semaphore_mem>>)
        %dma_wait3A = tpu.memref_slice %arg3[%add3A_14] : memref<331776xi32, #tpu.memory_space<hbm>> -> memref<128xi32, #tpu.memory_space<hbm>>
        %dma_wait3A_16 = tpu.memref_slice %arg3[%add3A_14] : memref<331776xi32, #tpu.memory_space<hbm>> -> memref<128xi32, #tpu.memory_space<hbm>>
        tpu.wait_dma2 semaphore(%run_scoped3A : memref<!tpu.dma_semaphore, #tpu.memory_space<semaphore_mem>>) src(%dma_wait3A_16 : memref<128xi32, #tpu.memory_space<hbm>>) dst(%arg6 : memref<128xi32, #tpu.memory_space<vmem>>)
        tpu.yield
      }) : () -> ()
      "tpu.region"() ({
        %run_scoped3A = tpu.sem_alloc : memref<!tpu.dma_semaphore, #tpu.memory_space<semaphore_mem>>
        %dma_start3A = arith.constant 0 : i32
        %dma_start3A_15 = tpu.memref_slice %arg2[%add3A_14, %dma_start3A] : memref<331776x128xf32, #tpu.memory_space<hbm>> -> memref<128x128xf32, #tpu.memory_space<hbm>>
        %dma_start3A_16 = arith.constant 0 : i32
        %dma_start3A_17 = tpu.memref_slice %arg2[%add3A_14, %dma_start3A_16] : memref<331776x128xf32, #tpu.memory_space<hbm>> -> memref<128x128xf32, #tpu.memory_space<hbm>>
        tpu.enqueue_dma source(%dma_start3A_17 : memref<128x128xf32, #tpu.memory_space<hbm>>) target(%arg7 : memref<128x128xf32, #tpu.memory_space<vmem>>) target_semaphore(%run_scoped3A : memref<!tpu.dma_semaphore, #tpu.memory_space<semaphore_mem>>)
        %dma_wait3A = arith.constant 0 : i32
        %dma_wait3A_18 = tpu.memref_slice %arg2[%add3A_14, %dma_wait3A] : memref<331776x128xf32, #tpu.memory_space<hbm>> -> memref<128x128xf32, #tpu.memory_space<hbm>>
        %dma_wait3A_19 = arith.constant 0 : i32
        %dma_wait3A_20 = tpu.memref_slice %arg2[%add3A_14, %dma_wait3A_19] : memref<331776x128xf32, #tpu.memory_space<hbm>> -> memref<128x128xf32, #tpu.memory_space<hbm>>
        tpu.wait_dma2 semaphore(%run_scoped3A : memref<!tpu.dma_semaphore, #tpu.memory_space<semaphore_mem>>) src(%dma_wait3A_20 : memref<128x128xf32, #tpu.memory_space<hbm>>) dst(%arg7 : memref<128x128xf32, #tpu.memory_space<vmem>>)
        tpu.yield
      }) : () -> ()
      "tpu.region"() ({
        %run_scoped3A = tpu.sem_alloc : memref<!tpu.dma_semaphore, #tpu.memory_space<semaphore_mem>>
        %dma_start3A = arith.constant 0 : i32
        %dma_start3A_15 = arith.constant 0 : i32
        %dma_start3A_16 = tpu.memref_slice %arg8[%dma_start3A, %dma_start3A_15] : memref<12032x128xf32, #tpu.memory_space<vmem_shared>> -> memref<12032x128xf32, #tpu.memory_space<vmem_shared>>
        tpu.enqueue_indirect_dma source(%arg7 : memref<128x128xf32, #tpu.memory_space<vmem>>) target(%dma_start3A_16 : memref<12032x128xf32, #tpu.memory_space<vmem_shared>>) offsets(%arg6 : memref<128xi32, #tpu.memory_space<vmem>>) semaphore(%run_scoped3A : memref<!tpu.dma_semaphore, #tpu.memory_space<semaphore_mem>>) {add = true}
        %dma_wait3A = arith.constant 0 : i32
        %dma_wait3A_17 = arith.constant 0 : i32
        %dma_wait3A_18 = tpu.memref_slice %arg8[%dma_wait3A, %dma_wait3A_17] : memref<12032x128xf32, #tpu.memory_space<vmem_shared>> -> memref<12032x128xf32, #tpu.memory_space<vmem_shared>>
        tpu.wait_indirect_dma semaphore(%run_scoped3A : memref<!tpu.dma_semaphore, #tpu.memory_space<semaphore_mem>>) src(%arg7 : memref<128x128xf32, #tpu.memory_space<vmem>>) dst(%dma_wait3A_18 : memref<12032x128xf32, #tpu.memory_space<vmem_shared>>)
        tpu.yield
      }) : () -> ()
    }
    %scan3A_7 = arith.constant 81 : i32
    %barrier3A_8 = arith.constant 0 : index
    tpu.barrier barrier_id(%barrier3A_8)
    "tpu.region"() ({
      %run_scoped3A = tpu.sem_alloc : memref<!tpu.dma_semaphore, #tpu.memory_space<semaphore_mem>>
      %dma_start3A = arith.constant 0 : i32
      %dma_start3A_9 = tpu.memref_slice %arg5[%arg0, %mul3A_2, %dma_start3A] : memref<2x12032x128xf32, #tpu.memory_space<hbm>> -> memref<1x752x128xf32, #tpu.memory_space<hbm>>
      %dma_start3A_10 = tpu.memref_squeeze %dma_start3A_9 : memref<1x752x128xf32, #tpu.memory_space<hbm>> -> memref<752x128xf32, #tpu.memory_space<hbm>>
      %dma_start3A_11 = arith.constant 0 : i32
      %dma_start3A_12 = tpu.memref_slice %arg8[%mul3A_2, %dma_start3A_11] : memref<12032x128xf32, #tpu.memory_space<vmem_shared>> -> memref<752x128xf32, #tpu.memory_space<vmem_shared>>
      tpu.enqueue_dma source(%dma_start3A_12 : memref<752x128xf32, #tpu.memory_space<vmem_shared>>) target(%dma_start3A_10 : memref<752x128xf32, #tpu.memory_space<hbm>>) target_semaphore(%run_scoped3A : memref<!tpu.dma_semaphore, #tpu.memory_space<semaphore_mem>>)
      %dma_wait3A = arith.constant 0 : i32
      %dma_wait3A_13 = tpu.memref_slice %arg5[%arg0, %mul3A_2, %dma_wait3A] : memref<2x12032x128xf32, #tpu.memory_space<hbm>> -> memref<1x752x128xf32, #tpu.memory_space<hbm>>
      %dma_wait3A_14 = tpu.memref_squeeze %dma_wait3A_13 : memref<1x752x128xf32, #tpu.memory_space<hbm>> -> memref<752x128xf32, #tpu.memory_space<hbm>>
      %dma_wait3A_15 = arith.constant 0 : i32
      %dma_wait3A_16 = tpu.memref_slice %arg8[%mul3A_2, %dma_wait3A_15] : memref<12032x128xf32, #tpu.memory_space<vmem_shared>> -> memref<752x128xf32, #tpu.memory_space<vmem_shared>>
      tpu.wait_dma2 semaphore(%run_scoped3A : memref<!tpu.dma_semaphore, #tpu.memory_space<semaphore_mem>>) src(%dma_wait3A_16 : memref<752x128xf32, #tpu.memory_space<vmem_shared>>) dst(%dma_wait3A_14 : memref<752x128xf32, #tpu.memory_space<hbm>>)
      tpu.yield
    }) : () -> ()
    return
  }
}

#map = affine_map<(d0, d1) -> (0, 0)>
#map1 = affine_map<(d0, d1) -> (0)>
module attributes {stable_mosaic.version = 14 : i64} {
  func.func @gather_k(%arg0: i32, %arg1: i32, %arg2: memref<10000x128xf32, #tpu.memory_space<hbm>>, %arg3: memref<331776xi32, #tpu.memory_space<hbm>>, %arg4: memref<331776xi32, #tpu.memory_space<hbm>>, %arg5: memref<331776x128xf32, #tpu.memory_space<hbm>>, %arg6: memref<331776x128xf32, #tpu.memory_space<hbm>>, %arg7: memref<128xi32, #tpu.memory_space<vmem>>, %arg8: memref<128xi32, #tpu.memory_space<vmem>>, %arg9: memref<128x128xf32, #tpu.memory_space<vmem>>, %arg10: memref<128x128xf32, #tpu.memory_space<vmem>>, %arg11: memref<!tpu.dma_semaphore, #tpu.memory_space<semaphore_mem>>, %arg12: memref<!tpu.dma_semaphore, #tpu.memory_space<semaphore_mem>>) attributes {dimension_semantics = [#tpu.dimension_semantics<core_parallel>, #tpu.dimension_semantics<subcore_parallel>], iteration_bounds = array<i64: 2, 16>, scalar_prefetch = 0 : i64, scratch_operands = 6 : i64, tpu.core_type = #tpu.core_type<sc_vector_subcore>, window_params = [{transform_indices = #map}, {transform_indices = #map1}, {transform_indices = #map1}, {transform_indices = #map}, {transform_indices = #map}]} {
    %mul3A = arith.constant 2 : i32
    %mul3A_0 = arith.muli %arg1, %mul3A : i32
    %add3A = arith.addi %mul3A_0, %arg0 : i32
    %scan3A = arith.constant 0 : i32
    %scan3A_1 = arith.constant 0 : i32
    %scan3A_2 = arith.constant 81 : i32
    %scan3A_3 = arith.addi %scan3A_1, %scan3A_2 : i32
    %scan3A_4 = arith.constant 1 : i32
    scf.for %scan3A_6 = %scan3A_1 to %scan3A_3 step %scan3A_4  : i32 {
      %mul3A_7 = arith.constant 10368 : i32
      %mul3A_8 = arith.muli %add3A, %mul3A_7 : i32
      %mul3A_9 = arith.constant 128 : i32
      %mul3A_10 = arith.muli %scan3A_6, %mul3A_9 : i32
      %add3A_11 = arith.addi %mul3A_8, %mul3A_10 : i32
      "tpu.region"() ({
        %run_scoped3A = tpu.sem_alloc : memref<!tpu.dma_semaphore, #tpu.memory_space<semaphore_mem>>
        %dma_start3A_22 = tpu.memref_slice %arg3[%add3A_11] : memref<331776xi32, #tpu.memory_space<hbm>> -> memref<128xi32, #tpu.memory_space<hbm>>
        %dma_start3A_23 = tpu.memref_slice %arg3[%add3A_11] : memref<331776xi32, #tpu.memory_space<hbm>> -> memref<128xi32, #tpu.memory_space<hbm>>
        tpu.enqueue_dma source(%dma_start3A_23 : memref<128xi32, #tpu.memory_space<hbm>>) target(%arg7 : memref<128xi32, #tpu.memory_space<vmem>>) target_semaphore(%run_scoped3A : memref<!tpu.dma_semaphore, #tpu.memory_space<semaphore_mem>>)
        %dma_wait3A_24 = tpu.memref_slice %arg3[%add3A_11] : memref<331776xi32, #tpu.memory_space<hbm>> -> memref<128xi32, #tpu.memory_space<hbm>>
        %dma_wait3A_25 = tpu.memref_slice %arg3[%add3A_11] : memref<331776xi32, #tpu.memory_space<hbm>> -> memref<128xi32, #tpu.memory_space<hbm>>
        tpu.wait_dma2 semaphore(%run_scoped3A : memref<!tpu.dma_semaphore, #tpu.memory_space<semaphore_mem>>) src(%dma_wait3A_25 : memref<128xi32, #tpu.memory_space<hbm>>) dst(%arg7 : memref<128xi32, #tpu.memory_space<vmem>>)
        tpu.yield
      }) : () -> ()
      "tpu.region"() ({
        %run_scoped3A = tpu.sem_alloc : memref<!tpu.dma_semaphore, #tpu.memory_space<semaphore_mem>>
        %dma_start3A_22 = tpu.memref_slice %arg4[%add3A_11] : memref<331776xi32, #tpu.memory_space<hbm>> -> memref<128xi32, #tpu.memory_space<hbm>>
        %dma_start3A_23 = tpu.memref_slice %arg4[%add3A_11] : memref<331776xi32, #tpu.memory_space<hbm>> -> memref<128xi32, #tpu.memory_space<hbm>>
        tpu.enqueue_dma source(%dma_start3A_23 : memref<128xi32, #tpu.memory_space<hbm>>) target(%arg8 : memref<128xi32, #tpu.memory_space<vmem>>) target_semaphore(%run_scoped3A : memref<!tpu.dma_semaphore, #tpu.memory_space<semaphore_mem>>)
        %dma_wait3A_24 = tpu.memref_slice %arg4[%add3A_11] : memref<331776xi32, #tpu.memory_space<hbm>> -> memref<128xi32, #tpu.memory_space<hbm>>
        %dma_wait3A_25 = tpu.memref_slice %arg4[%add3A_11] : memref<331776xi32, #tpu.memory_space<hbm>> -> memref<128xi32, #tpu.memory_space<hbm>>
        tpu.wait_dma2 semaphore(%run_scoped3A : memref<!tpu.dma_semaphore, #tpu.memory_space<semaphore_mem>>) src(%dma_wait3A_25 : memref<128xi32, #tpu.memory_space<hbm>>) dst(%arg8 : memref<128xi32, #tpu.memory_space<vmem>>)
        tpu.yield
      }) : () -> ()
      %dma_start3A = arith.constant 0 : i32
      %dma_start3A_12 = arith.constant 0 : i32
      %dma_start3A_13 = tpu.memref_slice %arg2[%dma_start3A, %dma_start3A_12] : memref<10000x128xf32, #tpu.memory_space<hbm>> -> memref<10000x128xf32, #tpu.memory_space<hbm>>
      tpu.enqueue_indirect_dma source(%dma_start3A_13 : memref<10000x128xf32, #tpu.memory_space<hbm>>) target(%arg9 : memref<128x128xf32, #tpu.memory_space<vmem>>) offsets(%arg7 : memref<128xi32, #tpu.memory_space<vmem>>) semaphore(%arg11 : memref<!tpu.dma_semaphore, #tpu.memory_space<semaphore_mem>>)
      %dma_start3A_14 = arith.constant 0 : i32
      %dma_start3A_15 = arith.constant 0 : i32
      %dma_start3A_16 = tpu.memref_slice %arg2[%dma_start3A_14, %dma_start3A_15] : memref<10000x128xf32, #tpu.memory_space<hbm>> -> memref<10000x128xf32, #tpu.memory_space<hbm>>
      tpu.enqueue_indirect_dma source(%dma_start3A_16 : memref<10000x128xf32, #tpu.memory_space<hbm>>) target(%arg10 : memref<128x128xf32, #tpu.memory_space<vmem>>) offsets(%arg8 : memref<128xi32, #tpu.memory_space<vmem>>) semaphore(%arg12 : memref<!tpu.dma_semaphore, #tpu.memory_space<semaphore_mem>>)
      %dma_wait3A = arith.constant 0 : i32
      %dma_wait3A_17 = arith.constant 0 : i32
      %dma_wait3A_18 = tpu.memref_slice %arg2[%dma_wait3A, %dma_wait3A_17] : memref<10000x128xf32, #tpu.memory_space<hbm>> -> memref<10000x128xf32, #tpu.memory_space<hbm>>
      tpu.wait_indirect_dma semaphore(%arg11 : memref<!tpu.dma_semaphore, #tpu.memory_space<semaphore_mem>>) src(%dma_wait3A_18 : memref<10000x128xf32, #tpu.memory_space<hbm>>) dst(%arg9 : memref<128x128xf32, #tpu.memory_space<vmem>>)
      %dma_wait3A_19 = arith.constant 0 : i32
      %dma_wait3A_20 = arith.constant 0 : i32
      %dma_wait3A_21 = tpu.memref_slice %arg2[%dma_wait3A_19, %dma_wait3A_20] : memref<10000x128xf32, #tpu.memory_space<hbm>> -> memref<10000x128xf32, #tpu.memory_space<hbm>>
      tpu.wait_indirect_dma semaphore(%arg12 : memref<!tpu.dma_semaphore, #tpu.memory_space<semaphore_mem>>) src(%dma_wait3A_21 : memref<10000x128xf32, #tpu.memory_space<hbm>>) dst(%arg10 : memref<128x128xf32, #tpu.memory_space<vmem>>)
      "tpu.region"() ({
        %run_scoped3A = tpu.sem_alloc : memref<!tpu.dma_semaphore, #tpu.memory_space<semaphore_mem>>
        %dma_start3A_22 = arith.constant 0 : i32
        %dma_start3A_23 = tpu.memref_slice %arg5[%add3A_11, %dma_start3A_22] : memref<331776x128xf32, #tpu.memory_space<hbm>> -> memref<128x128xf32, #tpu.memory_space<hbm>>
        %dma_start3A_24 = arith.constant 0 : i32
        %dma_start3A_25 = tpu.memref_slice %arg5[%add3A_11, %dma_start3A_24] : memref<331776x128xf32, #tpu.memory_space<hbm>> -> memref<128x128xf32, #tpu.memory_space<hbm>>
        tpu.enqueue_dma source(%arg9 : memref<128x128xf32, #tpu.memory_space<vmem>>) target(%dma_start3A_25 : memref<128x128xf32, #tpu.memory_space<hbm>>) target_semaphore(%run_scoped3A : memref<!tpu.dma_semaphore, #tpu.memory_space<semaphore_mem>>)
        %dma_wait3A_26 = arith.constant 0 : i32
        %dma_wait3A_27 = tpu.memref_slice %arg5[%add3A_11, %dma_wait3A_26] : memref<331776x128xf32, #tpu.memory_space<hbm>> -> memref<128x128xf32, #tpu.memory_space<hbm>>
        %dma_wait3A_28 = arith.constant 0 : i32
        %dma_wait3A_29 = tpu.memref_slice %arg5[%add3A_11, %dma_wait3A_28] : memref<331776x128xf32, #tpu.memory_space<hbm>> -> memref<128x128xf32, #tpu.memory_space<hbm>>
        tpu.wait_dma2 semaphore(%run_scoped3A : memref<!tpu.dma_semaphore, #tpu.memory_space<semaphore_mem>>) src(%arg9 : memref<128x128xf32, #tpu.memory_space<vmem>>) dst(%dma_wait3A_29 : memref<128x128xf32, #tpu.memory_space<hbm>>)
        tpu.yield
      }) : () -> ()
      "tpu.region"() ({
        %run_scoped3A = tpu.sem_alloc : memref<!tpu.dma_semaphore, #tpu.memory_space<semaphore_mem>>
        %dma_start3A_22 = arith.constant 0 : i32
        %dma_start3A_23 = tpu.memref_slice %arg6[%add3A_11, %dma_start3A_22] : memref<331776x128xf32, #tpu.memory_space<hbm>> -> memref<128x128xf32, #tpu.memory_space<hbm>>
        %dma_start3A_24 = arith.constant 0 : i32
        %dma_start3A_25 = tpu.memref_slice %arg6[%add3A_11, %dma_start3A_24] : memref<331776x128xf32, #tpu.memory_space<hbm>> -> memref<128x128xf32, #tpu.memory_space<hbm>>
        tpu.enqueue_dma source(%arg10 : memref<128x128xf32, #tpu.memory_space<vmem>>) target(%dma_start3A_25 : memref<128x128xf32, #tpu.memory_space<hbm>>) target_semaphore(%run_scoped3A : memref<!tpu.dma_semaphore, #tpu.memory_space<semaphore_mem>>)
        %dma_wait3A_26 = arith.constant 0 : i32
        %dma_wait3A_27 = tpu.memref_slice %arg6[%add3A_11, %dma_wait3A_26] : memref<331776x128xf32, #tpu.memory_space<hbm>> -> memref<128x128xf32, #tpu.memory_space<hbm>>
        %dma_wait3A_28 = arith.constant 0 : i32
        %dma_wait3A_29 = tpu.memref_slice %arg6[%add3A_11, %dma_wait3A_28] : memref<331776x128xf32, #tpu.memory_space<hbm>> -> memref<128x128xf32, #tpu.memory_space<hbm>>
        tpu.wait_dma2 semaphore(%run_scoped3A : memref<!tpu.dma_semaphore, #tpu.memory_space<semaphore_mem>>) src(%arg10 : memref<128x128xf32, #tpu.memory_space<vmem>>) dst(%dma_wait3A_29 : memref<128x128xf32, #tpu.memory_space<hbm>>)
        tpu.yield
      }) : () -> ()
    }
    %scan3A_5 = arith.constant 81 : i32
    return
  }
}

#map = affine_map<(d0, d1) -> (0, 0)>
#map1 = affine_map<(d0, d1) -> (0)>
module attributes {stable_mosaic.version = 14 : i64} {
  func.func @gather_k(%arg0: i32, %arg1: i32, %arg2: memref<10000x128xf32, #tpu.memory_space<hbm>>, %arg3: memref<331776xi32, #tpu.memory_space<hbm>>, %arg4: memref<331776xi32, #tpu.memory_space<hbm>>, %arg5: memref<331776x128xf32, #tpu.memory_space<hbm>>, %arg6: memref<331776x128xf32, #tpu.memory_space<hbm>>, %arg7: memref<128xi32, #tpu.memory_space<vmem>>, %arg8: memref<128xi32, #tpu.memory_space<vmem>>, %arg9: memref<128x128xf32, #tpu.memory_space<vmem>>, %arg10: memref<128x128xf32, #tpu.memory_space<vmem>>, %arg11: memref<!tpu.dma_semaphore, #tpu.memory_space<semaphore_mem>>, %arg12: memref<!tpu.dma_semaphore, #tpu.memory_space<semaphore_mem>>) attributes {dimension_semantics = [#tpu.dimension_semantics<core_parallel>, #tpu.dimension_semantics<subcore_parallel>], iteration_bounds = array<i64: 2, 16>, scalar_prefetch = 0 : i64, scratch_operands = 6 : i64, tpu.core_type = #tpu.core_type<sc_vector_subcore>, window_params = [{transform_indices = #map}, {transform_indices = #map1}, {transform_indices = #map1}, {transform_indices = #map}, {transform_indices = #map}]} {
    %mul3A = arith.constant 2 : i32
    %mul3A_0 = arith.muli %arg1, %mul3A : i32
    %add3A = arith.addi %mul3A_0, %arg0 : i32
    %scan3A = arith.constant 0 : i32
    %scan3A_1 = arith.constant 0 : i32
    %scan3A_2 = arith.constant 81 : i32
    %scan3A_3 = arith.addi %scan3A_1, %scan3A_2 : i32
    %scan3A_4 = arith.constant 1 : i32
    scf.for %scan3A_6 = %scan3A_1 to %scan3A_3 step %scan3A_4  : i32 {
      %mul3A_7 = arith.constant 10368 : i32
      %mul3A_8 = arith.muli %add3A, %mul3A_7 : i32
      %mul3A_9 = arith.constant 128 : i32
      %mul3A_10 = arith.muli %scan3A_6, %mul3A_9 : i32
      %add3A_11 = arith.addi %mul3A_8, %mul3A_10 : i32
      "tpu.region"() ({
        %run_scoped3A = tpu.sem_alloc : memref<!tpu.dma_semaphore, #tpu.memory_space<semaphore_mem>>
        %dma_start3A_22 = tpu.memref_slice %arg3[%add3A_11] : memref<331776xi32, #tpu.memory_space<hbm>> -> memref<128xi32, #tpu.memory_space<hbm>>
        %dma_start3A_23 = tpu.memref_slice %arg3[%add3A_11] : memref<331776xi32, #tpu.memory_space<hbm>> -> memref<128xi32, #tpu.memory_space<hbm>>
        tpu.enqueue_dma source(%dma_start3A_23 : memref<128xi32, #tpu.memory_space<hbm>>) target(%arg7 : memref<128xi32, #tpu.memory_space<vmem>>) target_semaphore(%run_scoped3A : memref<!tpu.dma_semaphore, #tpu.memory_space<semaphore_mem>>)
        %dma_wait3A_24 = tpu.memref_slice %arg3[%add3A_11] : memref<331776xi32, #tpu.memory_space<hbm>> -> memref<128xi32, #tpu.memory_space<hbm>>
        %dma_wait3A_25 = tpu.memref_slice %arg3[%add3A_11] : memref<331776xi32, #tpu.memory_space<hbm>> -> memref<128xi32, #tpu.memory_space<hbm>>
        tpu.wait_dma2 semaphore(%run_scoped3A : memref<!tpu.dma_semaphore, #tpu.memory_space<semaphore_mem>>) src(%dma_wait3A_25 : memref<128xi32, #tpu.memory_space<hbm>>) dst(%arg7 : memref<128xi32, #tpu.memory_space<vmem>>)
        tpu.yield
      }) : () -> ()
      "tpu.region"() ({
        %run_scoped3A = tpu.sem_alloc : memref<!tpu.dma_semaphore, #tpu.memory_space<semaphore_mem>>
        %dma_start3A_22 = tpu.memref_slice %arg4[%add3A_11] : memref<331776xi32, #tpu.memory_space<hbm>> -> memref<128xi32, #tpu.memory_space<hbm>>
        %dma_start3A_23 = tpu.memref_slice %arg4[%add3A_11] : memref<331776xi32, #tpu.memory_space<hbm>> -> memref<128xi32, #tpu.memory_space<hbm>>
        tpu.enqueue_dma source(%dma_start3A_23 : memref<128xi32, #tpu.memory_space<hbm>>) target(%arg8 : memref<128xi32, #tpu.memory_space<vmem>>) target_semaphore(%run_scoped3A : memref<!tpu.dma_semaphore, #tpu.memory_space<semaphore_mem>>)
        %dma_wait3A_24 = tpu.memref_slice %arg4[%add3A_11] : memref<331776xi32, #tpu.memory_space<hbm>> -> memref<128xi32, #tpu.memory_space<hbm>>
        %dma_wait3A_25 = tpu.memref_slice %arg4[%add3A_11] : memref<331776xi32, #tpu.memory_space<hbm>> -> memref<128xi32, #tpu.memory_space<hbm>>
        tpu.wait_dma2 semaphore(%run_scoped3A : memref<!tpu.dma_semaphore, #tpu.memory_space<semaphore_mem>>) src(%dma_wait3A_25 : memref<128xi32, #tpu.memory_space<hbm>>) dst(%arg8 : memref<128xi32, #tpu.memory_space<vmem>>)
        tpu.yield
      }) : () -> ()
      %dma_start3A = arith.constant 0 : i32
      %dma_start3A_12 = arith.constant 0 : i32
      %dma_start3A_13 = tpu.memref_slice %arg2[%dma_start3A, %dma_start3A_12] : memref<10000x128xf32, #tpu.memory_space<hbm>> -> memref<10000x128xf32, #tpu.memory_space<hbm>>
      tpu.enqueue_indirect_dma source(%dma_start3A_13 : memref<10000x128xf32, #tpu.memory_space<hbm>>) target(%arg9 : memref<128x128xf32, #tpu.memory_space<vmem>>) offsets(%arg7 : memref<128xi32, #tpu.memory_space<vmem>>) semaphore(%arg11 : memref<!tpu.dma_semaphore, #tpu.memory_space<semaphore_mem>>)
      %dma_start3A_14 = arith.constant 0 : i32
      %dma_start3A_15 = arith.constant 0 : i32
      %dma_start3A_16 = tpu.memref_slice %arg2[%dma_start3A_14, %dma_start3A_15] : memref<10000x128xf32, #tpu.memory_space<hbm>> -> memref<10000x128xf32, #tpu.memory_space<hbm>>
      tpu.enqueue_indirect_dma source(%dma_start3A_16 : memref<10000x128xf32, #tpu.memory_space<hbm>>) target(%arg10 : memref<128x128xf32, #tpu.memory_space<vmem>>) offsets(%arg8 : memref<128xi32, #tpu.memory_space<vmem>>) semaphore(%arg12 : memref<!tpu.dma_semaphore, #tpu.memory_space<semaphore_mem>>)
      %dma_wait3A = arith.constant 0 : i32
      %dma_wait3A_17 = arith.constant 0 : i32
      %dma_wait3A_18 = tpu.memref_slice %arg2[%dma_wait3A, %dma_wait3A_17] : memref<10000x128xf32, #tpu.memory_space<hbm>> -> memref<10000x128xf32, #tpu.memory_space<hbm>>
      tpu.wait_indirect_dma semaphore(%arg11 : memref<!tpu.dma_semaphore, #tpu.memory_space<semaphore_mem>>) src(%dma_wait3A_18 : memref<10000x128xf32, #tpu.memory_space<hbm>>) dst(%arg9 : memref<128x128xf32, #tpu.memory_space<vmem>>)
      %dma_wait3A_19 = arith.constant 0 : i32
      %dma_wait3A_20 = arith.constant 0 : i32
      %dma_wait3A_21 = tpu.memref_slice %arg2[%dma_wait3A_19, %dma_wait3A_20] : memref<10000x128xf32, #tpu.memory_space<hbm>> -> memref<10000x128xf32, #tpu.memory_space<hbm>>
      tpu.wait_indirect_dma semaphore(%arg12 : memref<!tpu.dma_semaphore, #tpu.memory_space<semaphore_mem>>) src(%dma_wait3A_21 : memref<10000x128xf32, #tpu.memory_space<hbm>>) dst(%arg10 : memref<128x128xf32, #tpu.memory_space<vmem>>)
      "tpu.region"() ({
        %run_scoped3A = tpu.sem_alloc : memref<!tpu.dma_semaphore, #tpu.memory_space<semaphore_mem>>
        %dma_start3A_22 = arith.constant 0 : i32
        %dma_start3A_23 = tpu.memref_slice %arg5[%add3A_11, %dma_start3A_22] : memref<331776x128xf32, #tpu.memory_space<hbm>> -> memref<128x128xf32, #tpu.memory_space<hbm>>
        %dma_start3A_24 = arith.constant 0 : i32
        %dma_start3A_25 = tpu.memref_slice %arg5[%add3A_11, %dma_start3A_24] : memref<331776x128xf32, #tpu.memory_space<hbm>> -> memref<128x128xf32, #tpu.memory_space<hbm>>
        tpu.enqueue_dma source(%arg9 : memref<128x128xf32, #tpu.memory_space<vmem>>) target(%dma_start3A_25 : memref<128x128xf32, #tpu.memory_space<hbm>>) target_semaphore(%run_scoped3A : memref<!tpu.dma_semaphore, #tpu.memory_space<semaphore_mem>>)
        %dma_wait3A_26 = arith.constant 0 : i32
        %dma_wait3A_27 = tpu.memref_slice %arg5[%add3A_11, %dma_wait3A_26] : memref<331776x128xf32, #tpu.memory_space<hbm>> -> memref<128x128xf32, #tpu.memory_space<hbm>>
        %dma_wait3A_28 = arith.constant 0 : i32
        %dma_wait3A_29 = tpu.memref_slice %arg5[%add3A_11, %dma_wait3A_28] : memref<331776x128xf32, #tpu.memory_space<hbm>> -> memref<128x128xf32, #tpu.memory_space<hbm>>
        tpu.wait_dma2 semaphore(%run_scoped3A : memref<!tpu.dma_semaphore, #tpu.memory_space<semaphore_mem>>) src(%arg9 : memref<128x128xf32, #tpu.memory_space<vmem>>) dst(%dma_wait3A_29 : memref<128x128xf32, #tpu.memory_space<hbm>>)
        tpu.yield
      }) : () -> ()
      "tpu.region"() ({
        %run_scoped3A = tpu.sem_alloc : memref<!tpu.dma_semaphore, #tpu.memory_space<semaphore_mem>>
        %dma_start3A_22 = arith.constant 0 : i32
        %dma_start3A_23 = tpu.memref_slice %arg6[%add3A_11, %dma_start3A_22] : memref<331776x128xf32, #tpu.memory_space<hbm>> -> memref<128x128xf32, #tpu.memory_space<hbm>>
        %dma_start3A_24 = arith.constant 0 : i32
        %dma_start3A_25 = tpu.memref_slice %arg6[%add3A_11, %dma_start3A_24] : memref<331776x128xf32, #tpu.memory_space<hbm>> -> memref<128x128xf32, #tpu.memory_space<hbm>>
        tpu.enqueue_dma source(%arg10 : memref<128x128xf32, #tpu.memory_space<vmem>>) target(%dma_start3A_25 : memref<128x128xf32, #tpu.memory_space<hbm>>) target_semaphore(%run_scoped3A : memref<!tpu.dma_semaphore, #tpu.memory_space<semaphore_mem>>)
        %dma_wait3A_26 = arith.constant 0 : i32
        %dma_wait3A_27 = tpu.memref_slice %arg6[%add3A_11, %dma_wait3A_26] : memref<331776x128xf32, #tpu.memory_space<hbm>> -> memref<128x128xf32, #tpu.memory_space<hbm>>
        %dma_wait3A_28 = arith.constant 0 : i32
        %dma_wait3A_29 = tpu.memref_slice %arg6[%add3A_11, %dma_wait3A_28] : memref<331776x128xf32, #tpu.memory_space<hbm>> -> memref<128x128xf32, #tpu.memory_space<hbm>>
        tpu.wait_dma2 semaphore(%run_scoped3A : memref<!tpu.dma_semaphore, #tpu.memory_space<semaphore_mem>>) src(%arg10 : memref<128x128xf32, #tpu.memory_space<vmem>>) dst(%dma_wait3A_29 : memref<128x128xf32, #tpu.memory_space<hbm>>)
        tpu.yield
      }) : () -> ()
    }
    %scan3A_5 = arith.constant 81 : i32
    return
  }
}

#map = affine_map<(d0, d1) -> (0, 0)>
#map1 = affine_map<(d0, d1) -> (0)>
#map2 = affine_map<(d0, d1) -> (0, 0, 0)>
module attributes {stable_mosaic.version = 14 : i64} {
  func.func @scatter_k(%arg0: i32, %arg1: i32, %arg2: memref<331776x128xf32, #tpu.memory_space<hbm>>, %arg3: memref<331776xi32, #tpu.memory_space<hbm>>, %arg4: memref<12032x128xf32, #tpu.memory_space<hbm>>, %arg5: memref<2x12032x128xf32, #tpu.memory_space<hbm>>, %arg6: memref<128xi32, #tpu.memory_space<vmem>>, %arg7: memref<128x128xf32, #tpu.memory_space<vmem>>, %arg8: memref<12032x128xf32, #tpu.memory_space<vmem_shared>>) attributes {dimension_semantics = [#tpu.dimension_semantics<core_parallel>, #tpu.dimension_semantics<subcore_parallel>], iteration_bounds = array<i64: 2, 16>, scalar_prefetch = 0 : i64, scratch_operands = 3 : i64, tpu.core_type = #tpu.core_type<sc_vector_subcore>, window_params = [{transform_indices = #map}, {transform_indices = #map1}, {transform_indices = #map}, {transform_indices = #map2}]} {
    %mul3A = arith.constant 2 : i32
    %mul3A_0 = arith.muli %arg1, %mul3A : i32
    %add3A = arith.addi %mul3A_0, %arg0 : i32
    %mul3A_1 = arith.constant 752 : i32
    %mul3A_2 = arith.muli %arg1, %mul3A_1 : i32
    "tpu.region"() ({
      %run_scoped3A = tpu.sem_alloc : memref<!tpu.dma_semaphore, #tpu.memory_space<semaphore_mem>>
      %dma_start3A = arith.constant 0 : i32
      %dma_start3A_9 = tpu.memref_slice %arg8[%mul3A_2, %dma_start3A] : memref<12032x128xf32, #tpu.memory_space<vmem_shared>> -> memref<752x128xf32, #tpu.memory_space<vmem_shared>>
      %dma_start3A_10 = arith.constant 0 : i32
      %dma_start3A_11 = tpu.memref_slice %arg4[%mul3A_2, %dma_start3A_10] : memref<12032x128xf32, #tpu.memory_space<hbm>> -> memref<752x128xf32, #tpu.memory_space<hbm>>
      tpu.enqueue_dma source(%dma_start3A_11 : memref<752x128xf32, #tpu.memory_space<hbm>>) target(%dma_start3A_9 : memref<752x128xf32, #tpu.memory_space<vmem_shared>>) target_semaphore(%run_scoped3A : memref<!tpu.dma_semaphore, #tpu.memory_space<semaphore_mem>>)
      %dma_wait3A = arith.constant 0 : i32
      %dma_wait3A_12 = tpu.memref_slice %arg8[%mul3A_2, %dma_wait3A] : memref<12032x128xf32, #tpu.memory_space<vmem_shared>> -> memref<752x128xf32, #tpu.memory_space<vmem_shared>>
      %dma_wait3A_13 = arith.constant 0 : i32
      %dma_wait3A_14 = tpu.memref_slice %arg4[%mul3A_2, %dma_wait3A_13] : memref<12032x128xf32, #tpu.memory_space<hbm>> -> memref<752x128xf32, #tpu.memory_space<hbm>>
      tpu.wait_dma2 semaphore(%run_scoped3A : memref<!tpu.dma_semaphore, #tpu.memory_space<semaphore_mem>>) src(%dma_wait3A_14 : memref<752x128xf32, #tpu.memory_space<hbm>>) dst(%dma_wait3A_12 : memref<752x128xf32, #tpu.memory_space<vmem_shared>>)
      tpu.yield
    }) : () -> ()
    %barrier3A = arith.constant 0 : index
    tpu.barrier barrier_id(%barrier3A)
    %scan3A = arith.constant 0 : i32
    %scan3A_3 = arith.constant 0 : i32
    %scan3A_4 = arith.constant 81 : i32
    %scan3A_5 = arith.addi %scan3A_3, %scan3A_4 : i32
    %scan3A_6 = arith.constant 1 : i32
    scf.for %scan3A_9 = %scan3A_3 to %scan3A_5 step %scan3A_6  : i32 {
      %mul3A_10 = arith.constant 10368 : i32
      %mul3A_11 = arith.muli %add3A, %mul3A_10 : i32
      %mul3A_12 = arith.constant 128 : i32
      %mul3A_13 = arith.muli %scan3A_9, %mul3A_12 : i32
      %add3A_14 = arith.addi %mul3A_11, %mul3A_13 : i32
      "tpu.region"() ({
        %run_scoped3A = tpu.sem_alloc : memref<!tpu.dma_semaphore, #tpu.memory_space<semaphore_mem>>
        %dma_start3A = tpu.memref_slice %arg3[%add3A_14] : memref<331776xi32, #tpu.memory_space<hbm>> -> memref<128xi32, #tpu.memory_space<hbm>>
        %dma_start3A_15 = tpu.memref_slice %arg3[%add3A_14] : memref<331776xi32, #tpu.memory_space<hbm>> -> memref<128xi32, #tpu.memory_space<hbm>>
        tpu.enqueue_dma source(%dma_start3A_15 : memref<128xi32, #tpu.memory_space<hbm>>) target(%arg6 : memref<128xi32, #tpu.memory_space<vmem>>) target_semaphore(%run_scoped3A : memref<!tpu.dma_semaphore, #tpu.memory_space<semaphore_mem>>)
        %dma_wait3A = tpu.memref_slice %arg3[%add3A_14] : memref<331776xi32, #tpu.memory_space<hbm>> -> memref<128xi32, #tpu.memory_space<hbm>>
        %dma_wait3A_16 = tpu.memref_slice %arg3[%add3A_14] : memref<331776xi32, #tpu.memory_space<hbm>> -> memref<128xi32, #tpu.memory_space<hbm>>
        tpu.wait_dma2 semaphore(%run_scoped3A : memref<!tpu.dma_semaphore, #tpu.memory_space<semaphore_mem>>) src(%dma_wait3A_16 : memref<128xi32, #tpu.memory_space<hbm>>) dst(%arg6 : memref<128xi32, #tpu.memory_space<vmem>>)
        tpu.yield
      }) : () -> ()
      "tpu.region"() ({
        %run_scoped3A = tpu.sem_alloc : memref<!tpu.dma_semaphore, #tpu.memory_space<semaphore_mem>>
        %dma_start3A = arith.constant 0 : i32
        %dma_start3A_15 = tpu.memref_slice %arg2[%add3A_14, %dma_start3A] : memref<331776x128xf32, #tpu.memory_space<hbm>> -> memref<128x128xf32, #tpu.memory_space<hbm>>
        %dma_start3A_16 = arith.constant 0 : i32
        %dma_start3A_17 = tpu.memref_slice %arg2[%add3A_14, %dma_start3A_16] : memref<331776x128xf32, #tpu.memory_space<hbm>> -> memref<128x128xf32, #tpu.memory_space<hbm>>
        tpu.enqueue_dma source(%dma_start3A_17 : memref<128x128xf32, #tpu.memory_space<hbm>>) target(%arg7 : memref<128x128xf32, #tpu.memory_space<vmem>>) target_semaphore(%run_scoped3A : memref<!tpu.dma_semaphore, #tpu.memory_space<semaphore_mem>>)
        %dma_wait3A = arith.constant 0 : i32
        %dma_wait3A_18 = tpu.memref_slice %arg2[%add3A_14, %dma_wait3A] : memref<331776x128xf32, #tpu.memory_space<hbm>> -> memref<128x128xf32, #tpu.memory_space<hbm>>
        %dma_wait3A_19 = arith.constant 0 : i32
        %dma_wait3A_20 = tpu.memref_slice %arg2[%add3A_14, %dma_wait3A_19] : memref<331776x128xf32, #tpu.memory_space<hbm>> -> memref<128x128xf32, #tpu.memory_space<hbm>>
        tpu.wait_dma2 semaphore(%run_scoped3A : memref<!tpu.dma_semaphore, #tpu.memory_space<semaphore_mem>>) src(%dma_wait3A_20 : memref<128x128xf32, #tpu.memory_space<hbm>>) dst(%arg7 : memref<128x128xf32, #tpu.memory_space<vmem>>)
        tpu.yield
      }) : () -> ()
      "tpu.region"() ({
        %run_scoped3A = tpu.sem_alloc : memref<!tpu.dma_semaphore, #tpu.memory_space<semaphore_mem>>
        %dma_start3A = arith.constant 0 : i32
        %dma_start3A_15 = arith.constant 0 : i32
        %dma_start3A_16 = tpu.memref_slice %arg8[%dma_start3A, %dma_start3A_15] : memref<12032x128xf32, #tpu.memory_space<vmem_shared>> -> memref<12032x128xf32, #tpu.memory_space<vmem_shared>>
        tpu.enqueue_indirect_dma source(%arg7 : memref<128x128xf32, #tpu.memory_space<vmem>>) target(%dma_start3A_16 : memref<12032x128xf32, #tpu.memory_space<vmem_shared>>) offsets(%arg6 : memref<128xi32, #tpu.memory_space<vmem>>) semaphore(%run_scoped3A : memref<!tpu.dma_semaphore, #tpu.memory_space<semaphore_mem>>) {add = true}
        %dma_wait3A = arith.constant 0 : i32
        %dma_wait3A_17 = arith.constant 0 : i32
        %dma_wait3A_18 = tpu.memref_slice %arg8[%dma_wait3A, %dma_wait3A_17] : memref<12032x128xf32, #tpu.memory_space<vmem_shared>> -> memref<12032x128xf32, #tpu.memory_space<vmem_shared>>
        tpu.wait_indirect_dma semaphore(%run_scoped3A : memref<!tpu.dma_semaphore, #tpu.memory_space<semaphore_mem>>) src(%arg7 : memref<128x128xf32, #tpu.memory_space<vmem>>) dst(%dma_wait3A_18 : memref<12032x128xf32, #tpu.memory_space<vmem_shared>>)
        tpu.yield
      }) : () -> ()
    }
    %scan3A_7 = arith.constant 81 : i32
    %barrier3A_8 = arith.constant 0 : index
    tpu.barrier barrier_id(%barrier3A_8)
    "tpu.region"() ({
      %run_scoped3A = tpu.sem_alloc : memref<!tpu.dma_semaphore, #tpu.memory_space<semaphore_mem>>
      %dma_start3A = arith.constant 0 : i32
      %dma_start3A_9 = tpu.memref_slice %arg5[%arg0, %mul3A_2, %dma_start3A] : memref<2x12032x128xf32, #tpu.memory_space<hbm>> -> memref<1x752x128xf32, #tpu.memory_space<hbm>>
      %dma_start3A_10 = tpu.memref_squeeze %dma_start3A_9 : memref<1x752x128xf32, #tpu.memory_space<hbm>> -> memref<752x128xf32, #tpu.memory_space<hbm>>
      %dma_start3A_11 = arith.constant 0 : i32
      %dma_start3A_12 = tpu.memref_slice %arg8[%mul3A_2, %dma_start3A_11] : memref<12032x128xf32, #tpu.memory_space<vmem_shared>> -> memref<752x128xf32, #tpu.memory_space<vmem_shared>>
      tpu.enqueue_dma source(%dma_start3A_12 : memref<752x128xf32, #tpu.memory_space<vmem_shared>>) target(%dma_start3A_10 : memref<752x128xf32, #tpu.memory_space<hbm>>) target_semaphore(%run_scoped3A : memref<!tpu.dma_semaphore, #tpu.memory_space<semaphore_mem>>)
      %dma_wait3A = arith.constant 0 : i32
      %dma_wait3A_13 = tpu.memref_slice %arg5[%arg0, %mul3A_2, %dma_wait3A] : memref<2x12032x128xf32, #tpu.memory_space<hbm>> -> memref<1x752x128xf32, #tpu.memory_space<hbm>>
      %dma_wait3A_14 = tpu.memref_squeeze %dma_wait3A_13 : memref<1x752x128xf32, #tpu.memory_space<hbm>> -> memref<752x128xf32, #tpu.memory_space<hbm>>
      %dma_wait3A_15 = arith.constant 0 : i32
      %dma_wait3A_16 = tpu.memref_slice %arg8[%mul3A_2, %dma_wait3A_15] : memref<12032x128xf32, #tpu.memory_space<vmem_shared>> -> memref<752x128xf32, #tpu.memory_space<vmem_shared>>
      tpu.wait_dma2 semaphore(%run_scoped3A : memref<!tpu.dma_semaphore, #tpu.memory_space<semaphore_mem>>) src(%dma_wait3A_16 : memref<752x128xf32, #tpu.memory_space<vmem_shared>>) dst(%dma_wait3A_14 : memref<752x128xf32, #tpu.memory_space<hbm>>)
      tpu.yield
    }) : () -> ()
    return
  }
}

module attributes {stable_mosaic.version = 14 : i64} {
  func.func @_proj1_body(%arg0: i32, %arg1: memref<1000x128xf32, #tpu.memory_space<vmem>>, %arg2: memref<128x128xf32, #tpu.memory_space<vmem>>, %arg3: memref<128x16xf32, #tpu.memory_space<vmem>>, %arg4: memref<1000x128xf32, #tpu.memory_space<vmem>>, %arg5: memref<1000x16xf32, #tpu.memory_space<vmem>>) attributes {dimension_semantics = [#tpu.dimension_semantics<arbitrary>], iteration_bounds = array<i64: 10>, scalar_prefetch = 0 : i64, scratch_operands = 0 : i64, tpu.core_type = #tpu.core_type<tc>, window_params = [{transform_indices = @transform_0, window_bounds = array<i64: 1000, 128>}, {pipeline_mode = #tpu.pipeline_mode<synchronous>, transform_indices = @transform_1, window_bounds = array<i64: 128, 128>}, {pipeline_mode = #tpu.pipeline_mode<synchronous>, transform_indices = @transform_2, window_bounds = array<i64: 128, 16>}, {transform_indices = @transform_3, window_bounds = array<i64: 1000, 128>}, {transform_indices = @transform_4, window_bounds = array<i64: 1000, 16>}]} {
    %get3A = arith.constant 0 : index
    %get3A_0 = arith.constant 0 : index
    %get3A_1 = vector.load %arg1[%get3A, %get3A_0] : memref<1000x128xf32, #tpu.memory_space<vmem>>, vector<1000x128xf32>
    %get3A_2 = arith.constant 0 : index
    %get3A_3 = arith.constant 0 : index
    %get3A_4 = vector.load %arg2[%get3A_2, %get3A_3] : memref<128x128xf32, #tpu.memory_space<vmem>>, vector<128x128xf32>
    %dot_general3A = arith.constant dense<0.000000e+00> : vector<1000x128xf32>
    %dot_general3A_5 = tpu.matmul %get3A_1, %get3A_4, %dot_general3A {dimension_numbers = #tpu.dot_dimension_numbers<[1], [0], [0], [1], [0, 0, 1, 1], [], []>, transpose_lhs_hint = false} : vector<1000x128xf32>, vector<128x128xf32>, vector<1000x128xf32> -> vector<1000x128xf32>
    %swap3A = arith.constant 0 : index
    %swap3A_6 = arith.constant 0 : index
    %swap3A_7 = vector.load %arg4[%swap3A, %swap3A_6] : memref<1000x128xf32, #tpu.memory_space<vmem>>, vector<1000x128xf32>
    tpu.vector_store %arg4[%swap3A, %swap3A_6], %dot_general3A_5 {strides = array<i32>} : memref<1000x128xf32, #tpu.memory_space<vmem>>, vector<1000x128xf32>,
    %abs3A = math.absf %dot_general3A_5 : vector<1000x128xf32>
    %get3A_8 = arith.constant 0 : index
    %get3A_9 = arith.constant 0 : index
    %get3A_10 = vector.load %arg3[%get3A_8, %get3A_9] : memref<128x16xf32, #tpu.memory_space<vmem>>, vector<128x16xf32>
    %dot_general3A_11 = arith.constant dense<0.000000e+00> : vector<1000x16xf32>
    %dot_general3A_12 = tpu.matmul %abs3A, %get3A_10, %dot_general3A_11 {dimension_numbers = #tpu.dot_dimension_numbers<[1], [0], [0], [1], [0, 0, 1, 1], [], []>, transpose_lhs_hint = false} : vector<1000x128xf32>, vector<128x16xf32>, vector<1000x16xf32> -> vector<1000x16xf32>
    %swap3A_13 = arith.constant 0 : index
    %swap3A_14 = arith.constant 0 : index
    %swap3A_15 = vector.load %arg5[%swap3A_13, %swap3A_14] : memref<1000x16xf32, #tpu.memory_space<vmem>>, vector<1000x16xf32>
    tpu.vector_store %arg5[%swap3A_13, %swap3A_14], %dot_general3A_12 {strides = array<i32>} : memref<1000x16xf32, #tpu.memory_space<vmem>>, vector<1000x16xf32>,
    return
  }
  func.func @transform_0(%arg0: i32) -> (i32, i32) {
    %c0_i32 = arith.constant 0 : i32
    %c0_i32_0 = arith.constant 0 : i32
    return %arg0, %c0_i32 : i32, i32
  }
  func.func @transform_1(%arg0: i32) -> (i32, i32) {
    %c0_i32 = arith.constant 0 : i32
    %c0_i32_0 = arith.constant 0 : i32
    %c0_i32_1 = arith.constant 0 : i32
    return %c0_i32, %c0_i32_0 : i32, i32
  }
  func.func @transform_2(%arg0: i32) -> (i32, i32) {
    %c0_i32 = arith.constant 0 : i32
    %c0_i32_0 = arith.constant 0 : i32
    %c0_i32_1 = arith.constant 0 : i32
    return %c0_i32, %c0_i32_0 : i32, i32
  }
  func.func @transform_3(%arg0: i32) -> (i32, i32) {
    %c0_i32 = arith.constant 0 : i32
    %c0_i32_0 = arith.constant 0 : i32
    return %arg0, %c0_i32 : i32, i32
  }
  func.func @transform_4(%arg0: i32) -> (i32, i32) {
    %c0_i32 = arith.constant 0 : i32
    %c0_i32_0 = arith.constant 0 : i32
    return %arg0, %c0_i32 : i32, i32
  }
}

module attributes {stable_mosaic.version = 14 : i64} {
  func.func @_edge_body(%arg0: i32, %arg1: memref<2048x128xf32, #tpu.memory_space<vmem>>, %arg2: memref<2048x128xf32, #tpu.memory_space<vmem>>, %arg3: memref<64x4xf32, #tpu.memory_space<vmem>>, %arg4: memref<4x128xf32, #tpu.memory_space<vmem>>, %arg5: memref<4x128xf32, #tpu.memory_space<vmem>>, %arg6: memref<1x4xf32, #tpu.memory_space<vmem>>, %arg7: memref<2048x128xf32, #tpu.memory_space<vmem>>) attributes {dimension_semantics = [#tpu.dimension_semantics<arbitrary>], iteration_bounds = array<i64: 162>, scalar_prefetch = 0 : i64, scratch_operands = 0 : i64, tpu.core_type = #tpu.core_type<tc>, window_params = [{transform_indices = @transform_0, window_bounds = array<i64: 2048, 128>}, {transform_indices = @transform_1, window_bounds = array<i64: 2048, 128>}, {pipeline_mode = #tpu.pipeline_mode<synchronous>, transform_indices = @transform_2, window_bounds = array<i64: 64, 4>}, {pipeline_mode = #tpu.pipeline_mode<synchronous>, transform_indices = @transform_3, window_bounds = array<i64: 4, 128>}, {pipeline_mode = #tpu.pipeline_mode<synchronous>, transform_indices = @transform_4, window_bounds = array<i64: 4, 128>}, {pipeline_mode = #tpu.pipeline_mode<synchronous>, transform_indices = @transform_5, window_bounds = array<i64: 1, 4>}, {transform_indices = @transform_6, window_bounds = array<i64: 2048, 128>}]} {
    %get3A = arith.constant 0 : index
    %get3A_0 = arith.constant 0 : index
    %get3A_1 = vector.load %arg1[%get3A, %get3A_0] : memref<2048x128xf32, #tpu.memory_space<vmem>>, vector<2048x128xf32>
    %slice3A = vector.extract_strided_slice %get3A_1 {offsets = [0, 0], sizes = [2048, 64], strides = [1, 1]} : vector<2048x128xf32> to vector<2048x64xf32>
    %get3A_2 = arith.constant 0 : index
    %get3A_3 = arith.constant 64 : index
    %get3A_4 = vector.load %arg2[%get3A_2, %get3A_3] : memref<2048x128xf32, #tpu.memory_space<vmem>>, vector<2048x64xf32>
    %add3A = arith.addf %slice3A, %get3A_4 : vector<2048x64xf32>
    %gt3A = arith.constant 0.000000e+00 : f32
    %gt3A_5 = vector.broadcast %gt3A : f32 to vector<2048x64xf32>
    %gt3A_6 = arith.cmpf ogt, %add3A, %gt3A_5 : vector<2048x64xf32>
    %mul3A = arith.constant 2.000000e-01 : f32
    %mul3A_7 = vector.broadcast %mul3A : f32 to vector<2048x64xf32>
    %mul3A_8 = arith.mulf %mul3A_7, %add3A : vector<2048x64xf32>
    %select_n3A = arith.select %gt3A_6, %add3A, %mul3A_8 : vector<2048x64xi1>, vector<2048x64xf32>
    %get3A_9 = arith.constant 0 : index
    %get3A_10 = arith.constant 0 : index
    %get3A_11 = vector.load %arg3[%get3A_9, %get3A_10] : memref<64x4xf32, #tpu.memory_space<vmem>>, vector<64x4xf32>
    %dot_general3A = arith.constant dense<0.000000e+00> : vector<2048x4xf32>
    %dot_general3A_12 = tpu.matmul %select_n3A, %get3A_11, %dot_general3A {dimension_numbers = #tpu.dot_dimension_numbers<[1], [0], [0], [1], [0, 0, 1, 1], [], []>, transpose_lhs_hint = false} : vector<2048x64xf32>, vector<64x4xf32>, vector<2048x4xf32> -> vector<2048x4xf32>
    %get3A_13 = arith.constant 0 : index
    %get3A_14 = arith.constant 0 : index
    %get3A_15 = vector.load %arg6[%get3A_13, %get3A_14] : memref<1x4xf32, #tpu.memory_space<vmem>>, vector<1x4xf32>
    %sub3A = vector.broadcast %get3A_15 : vector<1x4xf32> to vector<2048x4xf32>
    %sub3A_16 = arith.subf %dot_general3A_12, %sub3A : vector<2048x4xf32>
    %exp3A = math.exp %sub3A_16 : vector<2048x4xf32>
    %get3A_17 = arith.constant 0 : index
    %get3A_18 = arith.constant 0 : index
    %get3A_19 = vector.load %arg4[%get3A_17, %get3A_18] : memref<4x128xf32, #tpu.memory_space<vmem>>, vector<4x128xf32>
    %dot_general3A_20 = arith.constant dense<0.000000e+00> : vector<2048x128xf32>
    %dot_general3A_21 = tpu.matmul %exp3A, %get3A_19, %dot_general3A_20 {dimension_numbers = #tpu.dot_dimension_numbers<[1], [0], [0], [1], [0, 0, 1, 1], [], []>, transpose_lhs_hint = false} : vector<2048x4xf32>, vector<4x128xf32>, vector<2048x128xf32> -> vector<2048x128xf32>
    %mul3A_22 = arith.mulf %get3A_1, %dot_general3A_21 : vector<2048x128xf32>
    %get3A_23 = arith.constant 0 : index
    %get3A_24 = arith.constant 0 : index
    %get3A_25 = vector.load %arg5[%get3A_23, %get3A_24] : memref<4x128xf32, #tpu.memory_space<vmem>>, vector<4x128xf32>
    %dot_general3A_26 = arith.constant dense<0.000000e+00> : vector<2048x128xf32>
    %dot_general3A_27 = tpu.matmul %exp3A, %get3A_25, %dot_general3A_26 {dimension_numbers = #tpu.dot_dimension_numbers<[1], [0], [0], [1], [0, 0, 1, 1], [], []>, transpose_lhs_hint = false} : vector<2048x4xf32>, vector<4x128xf32>, vector<2048x128xf32> -> vector<2048x128xf32>
    %add3A_28 = arith.addf %mul3A_22, %dot_general3A_27 : vector<2048x128xf32>
    %swap3A = arith.constant 0 : index
    %swap3A_29 = arith.constant 0 : index
    %swap3A_30 = vector.load %arg7[%swap3A, %swap3A_29] : memref<2048x128xf32, #tpu.memory_space<vmem>>, vector<2048x128xf32>
    tpu.vector_store %arg7[%swap3A, %swap3A_29], %add3A_28 {strides = array<i32>} : memref<2048x128xf32, #tpu.memory_space<vmem>>, vector<2048x128xf32>,
    return
  }
  func.func @transform_0(%arg0: i32) -> (i32, i32) {
    %c0_i32 = arith.constant 0 : i32
    %c0_i32_0 = arith.constant 0 : i32
    return %arg0, %c0_i32 : i32, i32
  }
  func.func @transform_1(%arg0: i32) -> (i32, i32) {
    %c0_i32 = arith.constant 0 : i32
    %c0_i32_0 = arith.constant 0 : i32
    return %arg0, %c0_i32 : i32, i32
  }
  func.func @transform_2(%arg0: i32) -> (i32, i32) {
    %c0_i32 = arith.constant 0 : i32
    %c0_i32_0 = arith.constant 0 : i32
    %c0_i32_1 = arith.constant 0 : i32
    return %c0_i32, %c0_i32_0 : i32, i32
  }
  func.func @transform_3(%arg0: i32) -> (i32, i32) {
    %c0_i32 = arith.constant 0 : i32
    %c0_i32_0 = arith.constant 0 : i32
    %c0_i32_1 = arith.constant 0 : i32
    return %c0_i32, %c0_i32_0 : i32, i32
  }
  func.func @transform_4(%arg0: i32) -> (i32, i32) {
    %c0_i32 = arith.constant 0 : i32
    %c0_i32_0 = arith.constant 0 : i32
    %c0_i32_1 = arith.constant 0 : i32
    return %c0_i32, %c0_i32_0 : i32, i32
  }
  func.func @transform_5(%arg0: i32) -> (i32, i32) {
    %c0_i32 = arith.constant 0 : i32
    %c0_i32_0 = arith.constant 0 : i32
    %c0_i32_1 = arith.constant 0 : i32
    return %c0_i32, %c0_i32_0 : i32, i32
  }
  func.func @transform_6(%arg0: i32) -> (i32, i32) {
    %c0_i32 = arith.constant 0 : i32
    %c0_i32_0 = arith.constant 0 : i32
    return %arg0, %c0_i32 : i32, i32
  }
}

module attributes {stable_mosaic.version = 14 : i64} {
  func.func @_mid_body(%arg0: i32, %arg1: memref<2x1000x128xf32, #tpu.memory_space<vmem>>, %arg2: memref<4x64xf32, #tpu.memory_space<vmem>>, %arg3: memref<1x64xf32, #tpu.memory_space<vmem>>, %arg4: memref<1x64xf32, #tpu.memory_space<vmem>>, %arg5: memref<1x64xf32, #tpu.memory_space<vmem>>, %arg6: memref<64x128xf32, #tpu.memory_space<vmem>>, %arg7: memref<128x16xf32, #tpu.memory_space<vmem>>, %arg8: memref<1000x128xf32, #tpu.memory_space<vmem>>, %arg9: memref<1000x16xf32, #tpu.memory_space<vmem>>) attributes {dimension_semantics = [#tpu.dimension_semantics<arbitrary>], iteration_bounds = array<i64: 10>, scalar_prefetch = 0 : i64, scratch_operands = 0 : i64, tpu.core_type = #tpu.core_type<tc>, window_params = [{transform_indices = @transform_0, window_bounds = array<i64: 2, 1000, 128>}, {pipeline_mode = #tpu.pipeline_mode<synchronous>, transform_indices = @transform_1, window_bounds = array<i64: 4, 64>}, {pipeline_mode = #tpu.pipeline_mode<synchronous>, transform_indices = @transform_2, window_bounds = array<i64: 1, 64>}, {pipeline_mode = #tpu.pipeline_mode<synchronous>, transform_indices = @transform_3, window_bounds = array<i64: 1, 64>}, {pipeline_mode = #tpu.pipeline_mode<synchronous>, transform_indices = @transform_4, window_bounds = array<i64: 1, 64>}, {pipeline_mode = #tpu.pipeline_mode<synchronous>, transform_indices = @transform_5, window_bounds = array<i64: 64, 128>}, {pipeline_mode = #tpu.pipeline_mode<synchronous>, transform_indices = @transform_6, window_bounds = array<i64: 128, 16>}, {transform_indices = @transform_7, window_bounds = array<i64: 1000, 128>}, {transform_indices = @transform_8, window_bounds = array<i64: 1000, 16>}]} {
    %get3A = arith.constant 0 : index
    %get3A_0 = arith.constant 0 : index
    %get3A_1 = arith.constant 0 : index
    %get3A_2 = vector.load %arg1[%get3A, %get3A_0, %get3A_1] : memref<2x1000x128xf32, #tpu.memory_space<vmem>>, vector<1x1000x64xf32>
    %get3A_3 = vector.shape_cast %get3A_2 : vector<1x1000x64xf32> to vector<1000x64xf32>
    %get3A_4 = arith.constant 1 : index
    %get3A_5 = arith.constant 0 : index
    %get3A_6 = arith.constant 0 : index
    %get3A_7 = vector.load %arg1[%get3A_4, %get3A_5, %get3A_6] : memref<2x1000x128xf32, #tpu.memory_space<vmem>>, vector<1x1000x64xf32>
    %get3A_8 = vector.shape_cast %get3A_7 : vector<1x1000x64xf32> to vector<1000x64xf32>
    %add3A = arith.addf %get3A_3, %get3A_8 : vector<1000x64xf32>
    %get3A_9 = arith.constant 0 : index
    %get3A_10 = arith.constant 0 : index
    %get3A_11 = arith.constant 64 : index
    %get3A_12 = vector.load %arg1[%get3A_9, %get3A_10, %get3A_11] : memref<2x1000x128xf32, #tpu.memory_space<vmem>>, vector<1x1000x4xf32>
    %get3A_13 = vector.shape_cast %get3A_12 : vector<1x1000x4xf32> to vector<1000x4xf32>
    %get3A_14 = arith.constant 1 : index
    %get3A_15 = arith.constant 0 : index
    %get3A_16 = arith.constant 64 : index
    %get3A_17 = vector.load %arg1[%get3A_14, %get3A_15, %get3A_16] : memref<2x1000x128xf32, #tpu.memory_space<vmem>>, vector<1x1000x4xf32>
    %get3A_18 = vector.shape_cast %get3A_17 : vector<1x1000x4xf32> to vector<1000x4xf32>
    %add3A_19 = arith.addf %get3A_13, %get3A_18 : vector<1000x4xf32>
    %get3A_20 = arith.constant 0 : index
    %get3A_21 = arith.constant 0 : index
    %get3A_22 = vector.load %arg2[%get3A_20, %get3A_21] : memref<4x64xf32, #tpu.memory_space<vmem>>, vector<4x64xf32>
    %dot_general3A = arith.constant dense<0.000000e+00> : vector<1000x64xf32>
    %dot_general3A_23 = tpu.matmul %add3A_19, %get3A_22, %dot_general3A {dimension_numbers = #tpu.dot_dimension_numbers<[1], [0], [0], [1], [0, 0, 1, 1], [], []>, transpose_lhs_hint = false} : vector<1000x4xf32>, vector<4x64xf32>, vector<1000x64xf32> -> vector<1000x64xf32>
    %add3A_24 = arith.constant 1.000000e-16 : f32
    %add3A_25 = vector.broadcast %add3A_24 : f32 to vector<1000x64xf32>
    %add3A_26 = arith.addf %dot_general3A_23, %add3A_25 : vector<1000x64xf32>
    %div3A = arith.divf %add3A, %add3A_26 : vector<1000x64xf32>
    %get3A_27 = arith.constant 0 : index
    %get3A_28 = arith.constant 0 : index
    %get3A_29 = vector.load %arg3[%get3A_27, %get3A_28] : memref<1x64xf32, #tpu.memory_space<vmem>>, vector<1x64xf32>
    %add3A_30 = vector.broadcast %get3A_29 : vector<1x64xf32> to vector<1000x64xf32>
    %add3A_31 = arith.addf %div3A, %add3A_30 : vector<1000x64xf32>
    %reduce_sum3A = arith.constant dense<0.000000e+00> : vector<1000xf32>
    %reduce_sum3A_32 = vector.multi_reduction <add>, %add3A_31, %reduce_sum3A [1] : vector<1000x64xf32> to vector<1000xf32>
    %broadcast_in_dim3A = vector.shape_cast %reduce_sum3A_32 : vector<1000xf32> to vector<1000x1xf32>
    %div3A_33 = arith.constant 6.400000e+01 : f32
    %div3A_34 = vector.broadcast %div3A_33 : f32 to vector<1000x1xf32>
    %div3A_35 = arith.divf %broadcast_in_dim3A, %div3A_34 : vector<1000x1xf32>
    %sub3A = vector.broadcast %div3A_35 : vector<1000x1xf32> to vector<1000x64xf32>
    %sub3A_36 = arith.subf %add3A_31, %sub3A : vector<1000x64xf32>
    %mul3A = arith.mulf %sub3A_36, %sub3A_36 : vector<1000x64xf32>
    %reduce_sum3A_37 = arith.constant dense<0.000000e+00> : vector<1000xf32>
    %reduce_sum3A_38 = vector.multi_reduction <add>, %mul3A, %reduce_sum3A_37 [1] : vector<1000x64xf32> to vector<1000xf32>
    %broadcast_in_dim3A_39 = vector.shape_cast %reduce_sum3A_38 : vector<1000xf32> to vector<1000x1xf32>
    %div3A_40 = arith.constant 6.400000e+01 : f32
    %div3A_41 = vector.broadcast %div3A_40 : f32 to vector<1000x1xf32>
    %div3A_42 = arith.divf %broadcast_in_dim3A_39, %div3A_41 : vector<1000x1xf32>
    %add3A_43 = arith.constant 9.99999974E-6 : f32
    %add3A_44 = vector.broadcast %add3A_43 : f32 to vector<1000x1xf32>
    %add3A_45 = arith.addf %div3A_42, %add3A_44 : vector<1000x1xf32>
    %rsqrt3A = math.rsqrt %add3A_45 : vector<1000x1xf32>
    %mul3A_46 = vector.broadcast %rsqrt3A : vector<1000x1xf32> to vector<1000x64xf32>
    %mul3A_47 = arith.mulf %sub3A_36, %mul3A_46 : vector<1000x64xf32>
    %get3A_48 = arith.constant 0 : index
    %get3A_49 = arith.constant 0 : index
    %get3A_50 = vector.load %arg4[%get3A_48, %get3A_49] : memref<1x64xf32, #tpu.memory_space<vmem>>, vector<1x64xf32>
    %mul3A_51 = vector.broadcast %get3A_50 : vector<1x64xf32> to vector<1000x64xf32>
    %mul3A_52 = arith.mulf %mul3A_47, %mul3A_51 : vector<1000x64xf32>
    %get3A_53 = arith.constant 0 : index
    %get3A_54 = arith.constant 0 : index
    %get3A_55 = vector.load %arg5[%get3A_53, %get3A_54] : memref<1x64xf32, #tpu.memory_space<vmem>>, vector<1x64xf32>
    %add3A_56 = vector.broadcast %get3A_55 : vector<1x64xf32> to vector<1000x64xf32>
    %add3A_57 = arith.addf %mul3A_52, %add3A_56 : vector<1000x64xf32>
    %gt3A = arith.constant 0.000000e+00 : f32
    %gt3A_58 = vector.broadcast %gt3A : f32 to vector<1000x64xf32>
    %gt3A_59 = arith.cmpf ogt, %add3A_57, %gt3A_58 : vector<1000x64xf32>
    %exp3A = math.exp %add3A_57 : vector<1000x64xf32>
    %sub3A_60 = arith.constant 1.000000e+00 : f32
    %sub3A_61 = vector.broadcast %sub3A_60 : f32 to vector<1000x64xf32>
    %sub3A_62 = arith.subf %exp3A, %sub3A_61 : vector<1000x64xf32>
    %select_n3A = arith.select %gt3A_59, %add3A_57, %sub3A_62 : vector<1000x64xi1>, vector<1000x64xf32>
    %get3A_63 = arith.constant 0 : index
    %get3A_64 = arith.constant 0 : index
    %get3A_65 = vector.load %arg6[%get3A_63, %get3A_64] : memref<64x128xf32, #tpu.memory_space<vmem>>, vector<64x128xf32>
    %dot_general3A_66 = arith.constant dense<0.000000e+00> : vector<1000x128xf32>
    %dot_general3A_67 = tpu.matmul %select_n3A, %get3A_65, %dot_general3A_66 {dimension_numbers = #tpu.dot_dimension_numbers<[1], [0], [0], [1], [0, 0, 1, 1], [], []>, transpose_lhs_hint = false} : vector<1000x64xf32>, vector<64x128xf32>, vector<1000x128xf32> -> vector<1000x128xf32>
    %swap3A = arith.constant 0 : index
    %swap3A_68 = arith.constant 0 : index
    %swap3A_69 = vector.load %arg8[%swap3A, %swap3A_68] : memref<1000x128xf32, #tpu.memory_space<vmem>>, vector<1000x128xf32>
    tpu.vector_store %arg8[%swap3A, %swap3A_68], %dot_general3A_67 {strides = array<i32>} : memref<1000x128xf32, #tpu.memory_space<vmem>>, vector<1000x128xf32>,
    %abs3A = math.absf %dot_general3A_67 : vector<1000x128xf32>
    %get3A_70 = arith.constant 0 : index
    %get3A_71 = arith.constant 0 : index
    %get3A_72 = vector.load %arg7[%get3A_70, %get3A_71] : memref<128x16xf32, #tpu.memory_space<vmem>>, vector<128x16xf32>
    %dot_general3A_73 = arith.constant dense<0.000000e+00> : vector<1000x16xf32>
    %dot_general3A_74 = tpu.matmul %abs3A, %get3A_72, %dot_general3A_73 {dimension_numbers = #tpu.dot_dimension_numbers<[1], [0], [0], [1], [0, 0, 1, 1], [], []>, transpose_lhs_hint = false} : vector<1000x128xf32>, vector<128x16xf32>, vector<1000x16xf32> -> vector<1000x16xf32>
    %swap3A_75 = arith.constant 0 : index
    %swap3A_76 = arith.constant 0 : index
    %swap3A_77 = vector.load %arg9[%swap3A_75, %swap3A_76] : memref<1000x16xf32, #tpu.memory_space<vmem>>, vector<1000x16xf32>
    tpu.vector_store %arg9[%swap3A_75, %swap3A_76], %dot_general3A_74 {strides = array<i32>} : memref<1000x16xf32, #tpu.memory_space<vmem>>, vector<1000x16xf32>,
    return
  }
  func.func @transform_0(%arg0: i32) -> (i32, i32, i32) {
    %c0_i32 = arith.constant 0 : i32
    %c0_i32_0 = arith.constant 0 : i32
    %c0_i32_1 = arith.constant 0 : i32
    return %c0_i32, %arg0, %c0_i32_0 : i32, i32, i32
  }
  func.func @transform_1(%arg0: i32) -> (i32, i32) {
    %c0_i32 = arith.constant 0 : i32
    %c0_i32_0 = arith.constant 0 : i32
    %c0_i32_1 = arith.constant 0 : i32
    return %c0_i32, %c0_i32_0 : i32, i32
  }
  func.func @transform_2(%arg0: i32) -> (i32, i32) {
    %c0_i32 = arith.constant 0 : i32
    %c0_i32_0 = arith.constant 0 : i32
    %c0_i32_1 = arith.constant 0 : i32
    return %c0_i32, %c0_i32_0 : i32, i32
  }
  func.func @transform_3(%arg0: i32) -> (i32, i32) {
    %c0_i32 = arith.constant 0 : i32
    %c0_i32_0 = arith.constant 0 : i32
    %c0_i32_1 = arith.constant 0 : i32
    return %c0_i32, %c0_i32_0 : i32, i32
  }
  func.func @transform_4(%arg0: i32) -> (i32, i32) {
    %c0_i32 = arith.constant 0 : i32
    %c0_i32_0 = arith.constant 0 : i32
    %c0_i32_1 = arith.constant 0 : i32
    return %c0_i32, %c0_i32_0 : i32, i32
  }
  func.func @transform_5(%arg0: i32) -> (i32, i32) {
    %c0_i32 = arith.constant 0 : i32
    %c0_i32_0 = arith.constant 0 : i32
    %c0_i32_1 = arith.constant 0 : i32
    return %c0_i32, %c0_i32_0 : i32, i32
  }
  func.func @transform_6(%arg0: i32) -> (i32, i32) {
    %c0_i32 = arith.constant 0 : i32
    %c0_i32_0 = arith.constant 0 : i32
    %c0_i32_1 = arith.constant 0 : i32
    return %c0_i32, %c0_i32_0 : i32, i32
  }
  func.func @transform_7(%arg0: i32) -> (i32, i32) {
    %c0_i32 = arith.constant 0 : i32
    %c0_i32_0 = arith.constant 0 : i32
    return %arg0, %c0_i32 : i32, i32
  }
  func.func @transform_8(%arg0: i32) -> (i32, i32) {
    %c0_i32 = arith.constant 0 : i32
    %c0_i32_0 = arith.constant 0 : i32
    return %arg0, %c0_i32 : i32, i32
  }
}

module attributes {stable_mosaic.version = 14 : i64} {
  func.func @_edge_body(%arg0: i32, %arg1: memref<2048x128xf32, #tpu.memory_space<vmem>>, %arg2: memref<2048x128xf32, #tpu.memory_space<vmem>>, %arg3: memref<32x4xf32, #tpu.memory_space<vmem>>, %arg4: memref<4x128xf32, #tpu.memory_space<vmem>>, %arg5: memref<4x128xf32, #tpu.memory_space<vmem>>, %arg6: memref<1x4xf32, #tpu.memory_space<vmem>>, %arg7: memref<2048x128xf32, #tpu.memory_space<vmem>>) attributes {dimension_semantics = [#tpu.dimension_semantics<arbitrary>], iteration_bounds = array<i64: 162>, scalar_prefetch = 0 : i64, scratch_operands = 0 : i64, tpu.core_type = #tpu.core_type<tc>, window_params = [{transform_indices = @transform_0, window_bounds = array<i64: 2048, 128>}, {transform_indices = @transform_1, window_bounds = array<i64: 2048, 128>}, {pipeline_mode = #tpu.pipeline_mode<synchronous>, transform_indices = @transform_2, window_bounds = array<i64: 32, 4>}, {pipeline_mode = #tpu.pipeline_mode<synchronous>, transform_indices = @transform_3, window_bounds = array<i64: 4, 128>}, {pipeline_mode = #tpu.pipeline_mode<synchronous>, transform_indices = @transform_4, window_bounds = array<i64: 4, 128>}, {pipeline_mode = #tpu.pipeline_mode<synchronous>, transform_indices = @transform_5, window_bounds = array<i64: 1, 4>}, {transform_indices = @transform_6, window_bounds = array<i64: 2048, 128>}]} {
    %get3A = arith.constant 0 : index
    %get3A_0 = arith.constant 0 : index
    %get3A_1 = vector.load %arg1[%get3A, %get3A_0] : memref<2048x128xf32, #tpu.memory_space<vmem>>, vector<2048x128xf32>
    %slice3A = vector.extract_strided_slice %get3A_1 {offsets = [0, 0], sizes = [2048, 32], strides = [1, 1]} : vector<2048x128xf32> to vector<2048x32xf32>
    %get3A_2 = arith.constant 0 : index
    %get3A_3 = arith.constant 32 : index
    %get3A_4 = vector.load %arg2[%get3A_2, %get3A_3] : memref<2048x128xf32, #tpu.memory_space<vmem>>, vector<2048x32xf32>
    %add3A = arith.addf %slice3A, %get3A_4 : vector<2048x32xf32>
    %gt3A = arith.constant 0.000000e+00 : f32
    %gt3A_5 = vector.broadcast %gt3A : f32 to vector<2048x32xf32>
    %gt3A_6 = arith.cmpf ogt, %add3A, %gt3A_5 : vector<2048x32xf32>
    %mul3A = arith.constant 2.000000e-01 : f32
    %mul3A_7 = vector.broadcast %mul3A : f32 to vector<2048x32xf32>
    %mul3A_8 = arith.mulf %mul3A_7, %add3A : vector<2048x32xf32>
    %select_n3A = arith.select %gt3A_6, %add3A, %mul3A_8 : vector<2048x32xi1>, vector<2048x32xf32>
    %get3A_9 = arith.constant 0 : index
    %get3A_10 = arith.constant 0 : index
    %get3A_11 = vector.load %arg3[%get3A_9, %get3A_10] : memref<32x4xf32, #tpu.memory_space<vmem>>, vector<32x4xf32>
    %dot_general3A = arith.constant dense<0.000000e+00> : vector<2048x4xf32>
    %dot_general3A_12 = tpu.matmul %select_n3A, %get3A_11, %dot_general3A {dimension_numbers = #tpu.dot_dimension_numbers<[1], [0], [0], [1], [0, 0, 1, 1], [], []>, transpose_lhs_hint = false} : vector<2048x32xf32>, vector<32x4xf32>, vector<2048x4xf32> -> vector<2048x4xf32>
    %get3A_13 = arith.constant 0 : index
    %get3A_14 = arith.constant 0 : index
    %get3A_15 = vector.load %arg6[%get3A_13, %get3A_14] : memref<1x4xf32, #tpu.memory_space<vmem>>, vector<1x4xf32>
    %sub3A = vector.broadcast %get3A_15 : vector<1x4xf32> to vector<2048x4xf32>
    %sub3A_16 = arith.subf %dot_general3A_12, %sub3A : vector<2048x4xf32>
    %exp3A = math.exp %sub3A_16 : vector<2048x4xf32>
    %get3A_17 = arith.constant 0 : index
    %get3A_18 = arith.constant 0 : index
    %get3A_19 = vector.load %arg4[%get3A_17, %get3A_18] : memref<4x128xf32, #tpu.memory_space<vmem>>, vector<4x128xf32>
    %dot_general3A_20 = arith.constant dense<0.000000e+00> : vector<2048x128xf32>
    %dot_general3A_21 = tpu.matmul %exp3A, %get3A_19, %dot_general3A_20 {dimension_numbers = #tpu.dot_dimension_numbers<[1], [0], [0], [1], [0, 0, 1, 1], [], []>, transpose_lhs_hint = false} : vector<2048x4xf32>, vector<4x128xf32>, vector<2048x128xf32> -> vector<2048x128xf32>
    %mul3A_22 = arith.mulf %get3A_1, %dot_general3A_21 : vector<2048x128xf32>
    %get3A_23 = arith.constant 0 : index
    %get3A_24 = arith.constant 0 : index
    %get3A_25 = vector.load %arg5[%get3A_23, %get3A_24] : memref<4x128xf32, #tpu.memory_space<vmem>>, vector<4x128xf32>
    %dot_general3A_26 = arith.constant dense<0.000000e+00> : vector<2048x128xf32>
    %dot_general3A_27 = tpu.matmul %exp3A, %get3A_25, %dot_general3A_26 {dimension_numbers = #tpu.dot_dimension_numbers<[1], [0], [0], [1], [0, 0, 1, 1], [], []>, transpose_lhs_hint = false} : vector<2048x4xf32>, vector<4x128xf32>, vector<2048x128xf32> -> vector<2048x128xf32>
    %add3A_28 = arith.addf %mul3A_22, %dot_general3A_27 : vector<2048x128xf32>
    %swap3A = arith.constant 0 : index
    %swap3A_29 = arith.constant 0 : index
    %swap3A_30 = vector.load %arg7[%swap3A, %swap3A_29] : memref<2048x128xf32, #tpu.memory_space<vmem>>, vector<2048x128xf32>
    tpu.vector_store %arg7[%swap3A, %swap3A_29], %add3A_28 {strides = array<i32>} : memref<2048x128xf32, #tpu.memory_space<vmem>>, vector<2048x128xf32>,
    return
  }
  func.func @transform_0(%arg0: i32) -> (i32, i32) {
    %c0_i32 = arith.constant 0 : i32
    %c0_i32_0 = arith.constant 0 : i32
    return %arg0, %c0_i32 : i32, i32
  }
  func.func @transform_1(%arg0: i32) -> (i32, i32) {
    %c0_i32 = arith.constant 0 : i32
    %c0_i32_0 = arith.constant 0 : i32
    return %arg0, %c0_i32 : i32, i32
  }
  func.func @transform_2(%arg0: i32) -> (i32, i32) {
    %c0_i32 = arith.constant 0 : i32
    %c0_i32_0 = arith.constant 0 : i32
    %c0_i32_1 = arith.constant 0 : i32
    return %c0_i32, %c0_i32_0 : i32, i32
  }
  func.func @transform_3(%arg0: i32) -> (i32, i32) {
    %c0_i32 = arith.constant 0 : i32
    %c0_i32_0 = arith.constant 0 : i32
    %c0_i32_1 = arith.constant 0 : i32
    return %c0_i32, %c0_i32_0 : i32, i32
  }
  func.func @transform_4(%arg0: i32) -> (i32, i32) {
    %c0_i32 = arith.constant 0 : i32
    %c0_i32_0 = arith.constant 0 : i32
    %c0_i32_1 = arith.constant 0 : i32
    return %c0_i32, %c0_i32_0 : i32, i32
  }
  func.func @transform_5(%arg0: i32) -> (i32, i32) {
    %c0_i32 = arith.constant 0 : i32
    %c0_i32_0 = arith.constant 0 : i32
    %c0_i32_1 = arith.constant 0 : i32
    return %c0_i32, %c0_i32_0 : i32, i32
  }
  func.func @transform_6(%arg0: i32) -> (i32, i32) {
    %c0_i32 = arith.constant 0 : i32
    %c0_i32_0 = arith.constant 0 : i32
    return %arg0, %c0_i32 : i32, i32
  }
}

module attributes {stable_mosaic.version = 14 : i64} {
  func.func @_final_body(%arg0: i32, %arg1: memref<2x1000x128xf32, #tpu.memory_space<vmem>>, %arg2: memref<1x32xf32, #tpu.memory_space<vmem>>, %arg3: memref<1x32xf32, #tpu.memory_space<vmem>>, %arg4: memref<1x32xf32, #tpu.memory_space<vmem>>, %arg5: memref<1000x32xf32, #tpu.memory_space<vmem>>) attributes {dimension_semantics = [#tpu.dimension_semantics<arbitrary>], iteration_bounds = array<i64: 10>, scalar_prefetch = 0 : i64, scratch_operands = 0 : i64, tpu.core_type = #tpu.core_type<tc>, window_params = [{transform_indices = @transform_0, window_bounds = array<i64: 2, 1000, 128>}, {pipeline_mode = #tpu.pipeline_mode<synchronous>, transform_indices = @transform_1, window_bounds = array<i64: 1, 32>}, {pipeline_mode = #tpu.pipeline_mode<synchronous>, transform_indices = @transform_2, window_bounds = array<i64: 1, 32>}, {pipeline_mode = #tpu.pipeline_mode<synchronous>, transform_indices = @transform_3, window_bounds = array<i64: 1, 32>}, {transform_indices = @transform_4, window_bounds = array<i64: 1000, 32>}]} {
    %get3A = arith.constant 0 : index
    %get3A_0 = arith.constant 0 : index
    %get3A_1 = arith.constant 0 : index
    %get3A_2 = vector.load %arg1[%get3A, %get3A_0, %get3A_1] : memref<2x1000x128xf32, #tpu.memory_space<vmem>>, vector<1x1000x32xf32>
    %get3A_3 = vector.shape_cast %get3A_2 : vector<1x1000x32xf32> to vector<1000x32xf32>
    %get3A_4 = arith.constant 1 : index
    %get3A_5 = arith.constant 0 : index
    %get3A_6 = arith.constant 0 : index
    %get3A_7 = vector.load %arg1[%get3A_4, %get3A_5, %get3A_6] : memref<2x1000x128xf32, #tpu.memory_space<vmem>>, vector<1x1000x32xf32>
    %get3A_8 = vector.shape_cast %get3A_7 : vector<1x1000x32xf32> to vector<1000x32xf32>
    %add3A = arith.addf %get3A_3, %get3A_8 : vector<1000x32xf32>
    %get3A_9 = arith.constant 0 : index
    %get3A_10 = arith.constant 0 : index
    %get3A_11 = arith.constant 32 : index
    %get3A_12 = vector.load %arg1[%get3A_9, %get3A_10, %get3A_11] : memref<2x1000x128xf32, #tpu.memory_space<vmem>>, vector<1x1000x1xf32>
    %get3A_13 = vector.shape_cast %get3A_12 : vector<1x1000x1xf32> to vector<1000x1xf32>
    %get3A_14 = arith.constant 1 : index
    %get3A_15 = arith.constant 0 : index
    %get3A_16 = arith.constant 32 : index
    %get3A_17 = vector.load %arg1[%get3A_14, %get3A_15, %get3A_16] : memref<2x1000x128xf32, #tpu.memory_space<vmem>>, vector<1x1000x1xf32>
    %get3A_18 = vector.shape_cast %get3A_17 : vector<1x1000x1xf32> to vector<1000x1xf32>
    %add3A_19 = arith.addf %get3A_13, %get3A_18 : vector<1000x1xf32>
    %add3A_20 = arith.constant 1.000000e-16 : f32
    %add3A_21 = vector.broadcast %add3A_20 : f32 to vector<1000x1xf32>
    %add3A_22 = arith.addf %add3A_19, %add3A_21 : vector<1000x1xf32>
    %div3A = vector.broadcast %add3A_22 : vector<1000x1xf32> to vector<1000x32xf32>
    %div3A_23 = arith.divf %add3A, %div3A : vector<1000x32xf32>
    %get3A_24 = arith.constant 0 : index
    %get3A_25 = arith.constant 0 : index
    %get3A_26 = vector.load %arg2[%get3A_24, %get3A_25] : memref<1x32xf32, #tpu.memory_space<vmem>>, vector<1x32xf32>
    %add3A_27 = vector.broadcast %get3A_26 : vector<1x32xf32> to vector<1000x32xf32>
    %add3A_28 = arith.addf %div3A_23, %add3A_27 : vector<1000x32xf32>
    %reduce_sum3A = arith.constant dense<0.000000e+00> : vector<1000xf32>
    %reduce_sum3A_29 = vector.multi_reduction <add>, %add3A_28, %reduce_sum3A [1] : vector<1000x32xf32> to vector<1000xf32>
    %broadcast_in_dim3A = vector.shape_cast %reduce_sum3A_29 : vector<1000xf32> to vector<1000x1xf32>
    %div3A_30 = arith.constant 3.200000e+01 : f32
    %div3A_31 = vector.broadcast %div3A_30 : f32 to vector<1000x1xf32>
    %div3A_32 = arith.divf %broadcast_in_dim3A, %div3A_31 : vector<1000x1xf32>
    %sub3A = vector.broadcast %div3A_32 : vector<1000x1xf32> to vector<1000x32xf32>
    %sub3A_33 = arith.subf %add3A_28, %sub3A : vector<1000x32xf32>
    %mul3A = arith.mulf %sub3A_33, %sub3A_33 : vector<1000x32xf32>
    %reduce_sum3A_34 = arith.constant dense<0.000000e+00> : vector<1000xf32>
    %reduce_sum3A_35 = vector.multi_reduction <add>, %mul3A, %reduce_sum3A_34 [1] : vector<1000x32xf32> to vector<1000xf32>
    %broadcast_in_dim3A_36 = vector.shape_cast %reduce_sum3A_35 : vector<1000xf32> to vector<1000x1xf32>
    %div3A_37 = arith.constant 3.200000e+01 : f32
    %div3A_38 = vector.broadcast %div3A_37 : f32 to vector<1000x1xf32>
    %div3A_39 = arith.divf %broadcast_in_dim3A_36, %div3A_38 : vector<1000x1xf32>
    %add3A_40 = arith.constant 9.99999974E-6 : f32
    %add3A_41 = vector.broadcast %add3A_40 : f32 to vector<1000x1xf32>
    %add3A_42 = arith.addf %div3A_39, %add3A_41 : vector<1000x1xf32>
    %rsqrt3A = math.rsqrt %add3A_42 : vector<1000x1xf32>
    %mul3A_43 = vector.broadcast %rsqrt3A : vector<1000x1xf32> to vector<1000x32xf32>
    %mul3A_44 = arith.mulf %sub3A_33, %mul3A_43 : vector<1000x32xf32>
    %get3A_45 = arith.constant 0 : index
    %get3A_46 = arith.constant 0 : index
    %get3A_47 = vector.load %arg3[%get3A_45, %get3A_46] : memref<1x32xf32, #tpu.memory_space<vmem>>, vector<1x32xf32>
    %mul3A_48 = vector.broadcast %get3A_47 : vector<1x32xf32> to vector<1000x32xf32>
    %mul3A_49 = arith.mulf %mul3A_44, %mul3A_48 : vector<1000x32xf32>
    %get3A_50 = arith.constant 0 : index
    %get3A_51 = arith.constant 0 : index
    %get3A_52 = vector.load %arg4[%get3A_50, %get3A_51] : memref<1x32xf32, #tpu.memory_space<vmem>>, vector<1x32xf32>
    %add3A_53 = vector.broadcast %get3A_52 : vector<1x32xf32> to vector<1000x32xf32>
    %add3A_54 = arith.addf %mul3A_49, %add3A_53 : vector<1000x32xf32>
    %swap3A = arith.constant 0 : index
    %swap3A_55 = arith.constant 0 : index
    %swap3A_56 = vector.load %arg5[%swap3A, %swap3A_55] : memref<1000x32xf32, #tpu.memory_space<vmem>>, vector<1000x32xf32>
    tpu.vector_store %arg5[%swap3A, %swap3A_55], %add3A_54 {strides = array<i32>} : memref<1000x32xf32, #tpu.memory_space<vmem>>, vector<1000x32xf32>,
    return
  }
  func.func @transform_0(%arg0: i32) -> (i32, i32, i32) {
    %c0_i32 = arith.constant 0 : i32
    %c0_i32_0 = arith.constant 0 : i32
    %c0_i32_1 = arith.constant 0 : i32
    return %c0_i32, %arg0, %c0_i32_0 : i32, i32, i32
  }
  func.func @transform_1(%arg0: i32) -> (i32, i32) {
    %c0_i32 = arith.constant 0 : i32
    %c0_i32_0 = arith.constant 0 : i32
    %c0_i32_1 = arith.constant 0 : i32
    return %c0_i32, %c0_i32_0 : i32, i32
  }
  func.func @transform_2(%arg0: i32) -> (i32, i32) {
    %c0_i32 = arith.constant 0 : i32
    %c0_i32_0 = arith.constant 0 : i32
    %c0_i32_1 = arith.constant 0 : i32
    return %c0_i32, %c0_i32_0 : i32, i32
  }
  func.func @transform_3(%arg0: i32) -> (i32, i32) {
    %c0_i32 = arith.constant 0 : i32
    %c0_i32_0 = arith.constant 0 : i32
    %c0_i32_1 = arith.constant 0 : i32
    return %c0_i32, %c0_i32_0 : i32, i32
  }
  func.func @transform_4(%arg0: i32) -> (i32, i32) {
    %c0_i32 = arith.constant 0 : i32
    %c0_i32_0 = arith.constant 0 : i32
    return %arg0, %c0_i32 : i32, i32
  }
}

</mosaic_0001>

<sc_bundles>
// kernel: kernel.11.cloned.1.call-start
scs
__scs_entry_jumppad:
0x0: {  	(pc) =	sbr.rel $0x88, $3  }
0x1: {  	(tag) =	ssettag $0x0;
	lr =	simm.s32 $0x1  }
0x2: {  	[smem:$0x3F93] =	sst lr;
	_ =	strace $0xD0000000  }
0x3: {  	_ = 	snop  }
0x4: {  	_ = 	snop  }
0x5: {  	_ = 	snop  }
0x6: {  	_ = 	snop  }
0x7: {  	_ = 	snop  }
__scs_overlays_trampoline_lowered:
0x8: {  	[smem:$0x3FA2] =	sst s0  }
0x9: {  	[smem:$0x3FA3] =	sst s1  }
0xa: {  	[smem:$0x3FA4] =	sst s2  }
0xb: {  	[smem:$0x3FA5] =	sst s3  }
0xc: {  	[smem:$0x3FA6] =	sst s4  }
0xd: {  	[smem:$0x3FA7] =	sst s5  }
0xe: {  	[smem:$0x3FA8] =	sst s6  }
0xf: {  	[smem:$0x3FA9] =	sst s7  }
0x10: {  	[smem:$0x3FAA] =	sst s8  }
0x11: {  	[smem:$0x3FAB] =	sst s9;
	s0 =	simm.s32 @!p0 $0x0  }
0x12: {  	s1 =	sld [smem:$0x3F91];
	s0 =	simm.s32 @p0 $0x1  }
0x13: {  	[smem:$0x3FAC] =	sst s0;
	s0 =	simm.s32 @!p1 $0x0  }
0x14: {  	s2 =	sld [smem:$0x3F90];
	s0 =	simm.s32 @p1 $0x1  }
0x15: {  	[smem:$0x3FAD] =	sst s0;
	s0 =	simm.s32 @!p2 $0x0  }
0x16: {  	s3 =	sld [smem:$0x3FDB];
	s0 =	simm.s32 @p2 $0x1  }
0x17: {  	s4 =	simm.s32 $0x1BF5;
	[smem:$0x3FAF] =	sst s0  }
0x18: {  	s0 =	sld [smem:$0x3F92];
	_ =	swait.ge [sflag:s4], $0x0  }
0x19: {  	s7 =	sld [smem:$0x3F93]  }
0x1a: {  	s8 =	sadd.s32 $0xFFFFE003, lr  }
0x1b: {  	s9 =	sadd.s32 $0xFFFFFEF7, lr;
	s5 =	simm.s32 $0xFFFFFFFF;
	p2 =	slt.u32 s8, $0xFFFFF086  }
0x1c: {  	p1 =	slt.u32 s9, $0xF7A;
	s5 =	simm.s32 @!p2 $0x0  }
0x1d: {  	s5 =	simm.s32 @p1 $0x1;
	p0 =	seq.s32 s7, s2  }
0x1e: {  	s7 =	smul.u32 @!p0 $0xF7A, s2;
	p2 =	seq.s32 @!p0 s5, $0x0  }
0x1f: {  	s9 =	smul.u32 $0xF7A, s1;
	s8 =	simm.s32 @!p0 $0x1BF5;
	p2 =	por !p2, p0  }
0x20: {  	[sflag:s8] =	ssyncset.s32 @!p0 $0xFFFFF086;
	s6 =	sadd.s32 @!p0 s3, s7;
	s7 =	simm.s32 @!p0 $0x108  }
0x21: {  	s3 =	sadd.s32 s3, s9;
	s6 =	sadd.s32 @!p0 $0x88, s6;
	s7 =	simm.s32 @p2 $0x1082  }
0x22: {  	[simem:s7], [sflag:s8] =	dma.local @!p0 [hbm:s6], $0xF7A  }
0x23: {  	s9 =	sor.u32 $0xD0000000, s2;
	s6 =	simm.s32 $0x108;
	_ =	swait.ge @!p0 [sflag:s8], $0x0  }
0x24: {  	s3 =	sadd.s32 $0x88, s3;
	s6 =	simm.s32 @!p1 $0x1082;
	[sflag:s4] =	ssyncset.s32 $0xFFFFF086  }
0x25: {  	[simem:s6], [sflag:s4] =	dma.local [hbm:s3], $0xF7A  }
0x26: {  	[smem:$0x3F93] =	sst s1;
	(tag) =	ssettag s2;
	_ =	strace s9  }
0x27: {  	s1 =	sld [smem:$0x3FA3]  }
0x28: {  	s2 =	sld [smem:$0x3FA4]  }
0x29: {  	s4 =	sld [smem:$0x3FA6]  }
0x2a: {  	p0 =	seq.s32 s5, $0x0;
	s5 =	sld [smem:$0x3FA7]  }
0x2b: {  	s6 =	sld [smem:$0x3FA8]  }
0x2c: {  	s7 =	sld [smem:$0x3FA9]  }
0x2d: {  	s3 =	simm.s32 $0x108;
	s8 =	sld [smem:$0x3FAA]  }
0x2e: {  	s3 =	simm.s32 @!p0 $0x1082;
	s9 =	sld [smem:$0x3FAB]  }
0x2f: {  	lr =	sadd.s32 s0, s3;
	s0 =	sld [smem:$0x3FA2]  }
0x30: {  	s3 =	sld [smem:$0x3FA5]  }
0x31: {  	[smem:$0x3FAE] =	sst s10  }
0x32: {  	s10 =	sld [smem:$0x3FAC];
	_ =	sdelay $0x3  }
0x33: {  	p0 =	seq.s32 s10, $0x1;
	s10 =	sld [smem:$0x3FAE];
	_ =	sdelay $0x3  }
0x34: {  	[smem:$0x3FAE] =	sst s10  }
0x35: {  	s10 =	sld [smem:$0x3FAD];
	_ =	sdelay $0x3  }
0x36: {  	p1 =	seq.s32 s10, $0x1;
	s10 =	sld [smem:$0x3FAE];
	_ =	sdelay $0x3  }
0x37: {  	[smem:$0x3FAE] =	sst s10  }
0x38: {  	s10 =	sld [smem:$0x3FAF]  }
0x39: {  	_ = 	snop;
	(pc) =	sbr.ind lr, $3  }
0x3a: {  	_ = 	snop  }
0x3b: {  	_ = 	snop  }
0x3c: {  	p2 =	seq.s32 s10, $0x1;
	s10 =	sld [smem:$0x3FAE]  }
0x3d: {  	_ =	shalt  }
0x3e: {  	_ =	shalt  }
0x3f: {  	_ =	shalt  }
0x40: {  	_ =	shalt  }
0x41: {  	_ =	shalt  }
0x42: {  	_ =	shalt  }
0x43: {  	_ =	shalt  }
0x44: {  	_ =	shalt  }
0x45: {  	_ =	shalt  }
0x46: {  	_ =	shalt  }
0x47: {  	_ =	shalt  }
0x48: {  	_ =	shalt  }
0x49: {  	_ =	shalt  }
0x4a: {  	_ =	shalt  }
0x4b: {  	_ =	shalt  }
0x4c: {  	_ =	shalt  }
0x4d: {  	_ =	shalt  }
0x4e: {  	_ =	shalt  }
0x4f: {  	_ =	shalt  }
0x50: {  	_ =	shalt  }
0x51: {  	_ =	shalt  }
0x52: {  	_ =	shalt  }
0x53: {  	_ =	shalt  }
0x54: {  	_ =	shalt  }
0x55: {  	_ =	shalt  }
0x56: {  	_ =	shalt  }
0x57: {  	_ =	shalt  }
0x58: {  	_ =	shalt  }
0x59: {  	_ =	shalt  }
0x5a: {  	_ =	shalt  }
0x5b: {  	_ =	shalt  }
0x5c: {  	_ =	shalt  }
0x5d: {  	_ =	shalt  }
0x5e: {  	_ =	shalt  }
0x5f: {  	_ =	shalt  }
0x60: {  	_ =	shalt  }
0x61: {  	_ =	shalt  }
0x62: {  	_ =	shalt  }
0x63: {  	_ =	shalt  }
0x64: {  	_ =	shalt  }
0x65: {  	_ =	shalt  }
0x66: {  	_ =	shalt  }
0x67: {  	_ =	shalt  }
0x68: {  	_ =	shalt  }
0x69: {  	_ =	shalt  }
0x6a: {  	_ =	shalt  }
0x6b: {  	_ =	shalt  }
0x6c: {  	_ =	shalt  }
0x6d: {  	_ =	shalt  }
0x6e: {  	_ =	shalt  }
0x6f: {  	_ =	shalt  }
0x70: {  	_ =	shalt  }
0x71: {  	_ =	shalt  }
0x72: {  	_ =	shalt  }
0x73: {  	_ =	shalt  }
0x74: {  	_ =	shalt  }
0x75: {  	_ =	shalt  }
0x76: {  	_ =	shalt  }
0x77: {  	_ =	shalt  }
0x78: {  	_ =	shalt  }
0x79: {  	_ =	shalt  }
0x7a: {  	_ =	shalt  }
0x7b: {  	_ =	shalt  }
0x7c: {  	_ =	shalt  }
0x7d: {  	_ =	shalt  }
0x7e: {  	_ =	shalt  }
0x7f: {  	_ =	shalt  }
0x80: {  	_ =	shalt  }
0x81: {  	_ =	shalt  }
0x82: {  	_ =	shalt  }
0x83: {  	_ =	shalt  }
0x84: {  	_ =	shalt  }
0x85: {  	_ =	shalt  }
0x86: {  	_ =	shalt  }
0x87: {  	_ =	shalt  }
.Lfunc_end0:
.L_simem_size_0:
called_computation_lowered:
.L_overlay_start_0:
0x88: {  	s2 =	sld [smem:$0x3FD9]  }
0x89: {  	s3 =	sld [smem:$0x3FFE];
	_ =	sdelay $0x1  }
0x8a: {  	s1 =	srdreg.scid  }
0x8b: {  	s0 =	sand.u32 $0x1, s1  }
0x8c: {  	s16 =	sshll.u32 s0, $0xA;
	s2 =	sadd.s32 s3, s2  }
0x8d: {  	s2 =	sadd.s32 s2, s16  }
0x8e: {  	[smem:$0x3FBA] =	sst s2  }
0x8f: {  	_ = 	snop  }
0x90: {  	(tm) =	ssettm $0x1  }
0x91: {  	s17 =	sld [smem:$0x3FFB];
	_ =	sdelay $0x3  }
0x92: {  	_ =	strace s17  }
0x93: {  	s2 =	sld [smem:$0x3FFC];
	_ =	sdelay $0x3  }
0x94: {  	_ =	strace s2  }
0x95: {  	s2 =	sld [smem:$0x3FFD];
	_ =	sdelay $0x3  }
0x96: {  	_ =	strace s2  }
0x97: {  	_ =	strace $0x8FFFFFFF  }
0x98: {  	s18 =	sld [smem:$0x3FDB];
	_ =	sdelay $0x1  }
0x99: {  	s19 =	simm.s32 $_scs_section_size  }
0x9a: {  	s4 =	simm.s32 $_size__tile_overlayer_lowered;
	s5 =	simm.s32 $_tile_overlayer_lowered  }
0x9b: {  	s22 =	simm.s32 $0x1BFF;
	s21 =	sshll.u32 s5, $0x1;
	s2 =	sadd.s32 s19, s18  }
0x9c: {  	s6 =	simm.s32 $0x0;
	s20 =	sshll.u32 s4, $0x1;
	s4 =	sadd.s32 s21, s2  }
0x9d: {  	[timem:s6], [sflag:s22] =	dma.local [hbm:s4], s20  }
0x9e: {  	_ =	swait.ge [sflag:s22], s20  }
0x9f: {  	s3 =	ssub.s32 $0x0, s20;
	[sflag:s22] =	ssyncset.done $0x0  }
0xa0: {  	[sflag:s22] =	ssyncadd.s32 s3;
	_ =	sdelay $0x1  }
0xa1: {  	s23 =	simm.s32 $0x1B8B  }
0xa2: {  	_ =	swait.ge [sflag:s23], $0x1  }
0xa3: {  	[sflag:s23] =	ssyncset.done $0x0  }
0xa4: {  	s25 =	simm.s32 $0x1B8E;
	s24 =	sld [smem:$0x3FFE];
	[sflag:s23] =	ssyncadd.s32 $0xFFFFFFFF  }
0xa5: {  	s26 =	simm.s32 $execute0_lowered;
	[smem:$0x3FD2] =	sst s25  }
0xa6: {  	s4 =	sshll.u32 s26, $0x1;
	_ =	strace $0x80000046;
	[dreg:$0x1] =	wrdreg $0xFFFFFFFF  }
0xa7: {  	s28 =	simm.s32 $_size_execute0_lowered;
	s2 =	sadd.s32 s2, s4;
	[dreg:$0x0] =	wrdreg $0x0  }
0xa8: {  	s4 =	sshll.u32 s28, $0x1;
	[dreg:$0x2] =	wrdreg s2  }
0xa9: {  	[dreg:$0x3] =	wrdreg s4  }
0xaa: {  	[dreg:$0x4] =	wrdreg $0xC0  }
0xab: {  	_ =	task [dreg:s6], $0x5FFFF  }
0xac: {  	[dreg:$0x1] =	wrdreg $0xFFFFFFFF  }
0xad: {  	[dreg:$0x0] =	wrdreg $0x60  }
0xae: {  	[dreg:$0x2] =	wrdreg s24  }
0xaf: {  	[dreg:$0x3] =	wrdreg $0x9  }
0xb0: {  	_ =	task.clear_ibuf [dreg:s6], $0x4FFFF;
	_ =	strace $0x90000046  }
0xb1: {  	s29 =	simm.s32 $0x9;
	_ =	strace $0x80000048  }
0xb2: {  	_ =	swait.ge [sflag:s29], $0x1  }
0xb3: {  	[sflag:s29] =	ssyncadd.s32 $0xFFFFFFFF  }
0xb4: {  	_ =	strace $0x90000048  }
0xb5: {  	_ =	sfence  }
0xb6: {  	s30 =	sld [smem:$0x0];
	_ =	sdelay $0x2  }
0xb7: {  	s31 =	sshll.u32 s1, $0xD;
	s1 =	sshrl.u32 s1, $0x2  }
0xb8: {  	s3 =	sand.u32 $0x4000, s31;
	s1 =	sadd.s32 s1, s30  }
0xb9: {  	s0 =	sor.u32 s3, s0;
	s1 =	sshll.u32 s1, $0x11  }
0xba: {  	s0 =	sor.u32 s1, s0  }
0xbb: {  	s0 =	sadd.s32 $0x8F2B, s0  }
0xbc: {  	[sflag:s0] =	ssyncadd.remote.s32 $0x1  }
0xbd: {  	_ =	sfence.sel $0xFFFF  }
0xbe: {  	[dreg:$0x0] =	wrdreg $0xFFFFFFFF;
	(pc) =	sbr.abs _section_cstart, $3  }
0xbf: {  	[dreg:$0x1] =	wrdreg $0xFFFFFFFF  }
0xc0: {  	_ =	task.clear_ibuf [dreg:s6], $0x2FFFF;
	_ =	strace $0x9FFFFFFF  }
0xc1: {  	(tm) =	ssettm $0x7FFFFFFF  }
tec
execute0_lowered:
.L_overlay_start_1:
0x0: {  	(tag) =	ssettag $0x1  }
0x1: {  	s4 =	rddreg [dreg:$0x0]  }
0x2: {  	s0 =	rddreg [dreg:$0x1];
	s3 =	srdreg.scid  }
0x3: {  	s1 =	stileid.u32;
	s2 =	simm.s32 $0x0;
	s11 =	simm.s32 $0x100  }
0x4: {  	s12 =	simm.s32 $0x4100;
	s13 =	simm.s32 $0x1;
	s6 =	smul.u32 $0x5100, s1  }
0x5: {  	s14 =	simm.s32 $0x2;
	s5 =	sand.u32 $0x1, s3;
	s8 =	smul.u32 $0x51000, s1  }
0x6: {  	s15 =	simm.s32 $0x0;
	[smem:$0x7FF] =	sst s2;
	s7 =	smul.u32 $0x2880, s5  }
0x7: {  	s3 =	sadd.s32 $0x16400, s4;
	s29 =	ssub.s32 $0x2, s5;
	s5 =	smul.u32 $0x28800, s5  }
0x8: {  	_ =	strace $0x80000047;
	s8 =	sadd.s32 s8, s4;
	s9 =	sshrl.u32 s29, $0x1  }
0x9: {  	s6 =	sadd.s32 s7, s6;
	s30 =	ssub.s32 s29, s9;
	s31 =	sadd.s32 s5, s8  }
0xa: {  	s9 =	simm.s32 $0x3;
	s6 =	sshrl.u32 s6, $0x3;
	s5 =	sadd.s32 $0x3D600, s31  }
0xb: {  	s10 =	sadd.s32 s6, s4;
	s4 =	smax.u32 s30, $0x1;
	s6 =	sadd.s32 $0x54D600, s31  }
0xc: {  	s7 =	sadd.s32 $0x2000, s10;
	s8 =	sadd.s32 $0xC200, s10;
	s10 =	simm.s32 $0x80  }
.LBB2_1:
0xd: {  	s16 =	sadd.s32 $0x0, s8  }
0xe: {  	[tilespmem:s2], [sflag:$0x3] =	stream.linear.gather [hbm4b:s16+s2], $0x80, $0x38;
	[tilespmem:$0x8100] =	vst v63  }
0xf: {  	_ =	swait.ge [sflag:s9], $0x80  }
0x10: {  	[sflag:s9] =	ssyncset.done $0x0  }
0x11: {  	s31 =	sadd.s32 $0x0, s7;
	[sflag:s9] =	ssyncadd.s32 $0xFFFFFF80  }
0x12: {  	[tilespmem:s10], [sflag:$0x3] =	stream.linear.gather [hbm4b:s31+s2], $0x80, $0x38;
	[tilespmem:$0x8100] =	vst v63  }
0x13: {  	_ =	swait.ge [sflag:s9], $0x80  }
0x14: {  	[sflag:s9] =	ssyncset.done $0x0  }
0x15: {  	[sflag:s9] =	ssyncadd.s32 $0xFFFFFF80  }
0x16: {  	[tilespmem:s11], [sflag:$0x1] =	stream.indirect.gather [hbm4b:s3+s10], $0x80, s2, s10, $0xb8;
	[tilespmem:$0x8100] =	vst v63  }
0x17: {  	_ = 	snop  }
0x18: {  	[tilespmem:s12], [sflag:$0x2] =	stream.indirect.gather [hbm4b:s3+s10], $0x80, s10, s10, $0xb8;
	[tilespmem:$0x8100] =	vst v63  }
0x19: {  	_ =	swait.ge [sflag:s13], $0x4000  }
0x1a: {  	[sflag:s13] =	ssyncset.done $0x0  }
0x1b: {  	[sflag:s13] =	ssyncadd.s32 $0xFFFFC000  }
0x1c: {  	_ =	swait.ge [sflag:s14], $0x4000  }
0x1d: {  	[sflag:s14] =	ssyncset.done $0x0  }
0x1e: {  	[sflag:s14] =	ssyncadd.s32 $0xFFFFC000  }
0x1f: {  	[hbm4b:s5+s2] =	stream.linear.scatter [tilespmem:s11], [sflag:$0x3], $0x4000, $0x38;
	[tilespmem:$0x8100] =	vst v63  }
0x20: {  	_ =	swait.ge [sflag:s9], $0x4000  }
0x21: {  	[sflag:s9] =	ssyncset.done $0x0  }
0x22: {  	[sflag:s9] =	ssyncadd.s32 $0xFFFFC000  }
0x23: {  	[hbm4b:s6+s2] =	stream.linear.scatter [tilespmem:s12], [sflag:$0x3], $0x4000, $0x38;
	[tilespmem:$0x8100] =	vst v63  }
0x24: {  	s18 =	simm.s32 $0x10;
	s19 =	simm.s32 $0x20;
	_ =	swait.ge [sflag:s9], $0x4000  }
0x25: {  	s17 =	sadd.s32 $0x800, s5;
	s16 =	sadd.s32 $0x800, s6;
	[sflag:s9] =	ssyncset.done $0x0  }
.LBB2_2:
0x26: {  	s20 =	sadd.s32 s18, s8  }
0x27: {  	[sflag:s9] =	ssyncadd.s32 $0xFFFFC000;
	s21 =	smov.u32 s19;
	s22 =	sadd.s32 $0x10, s19  }
0x28: {  	[tilespmem:s2], [sflag:$0x3] =	stream.linear.gather [hbm4b:s20+s2], $0x80, $0x38;
	[tilespmem:$0x8100] =	vst v63  }
0x29: {  	p0 =	sne.s32 s19, $0x500;
	_ =	swait.ge [sflag:s9], $0x80  }
0x2a: {  	[sflag:s9] =	ssyncset.done $0x0  }
0x2b: {  	s19 =	sadd.s32 s18, s7;
	s18 =	smov.u32 s21;
	[sflag:s9] =	ssyncadd.s32 $0xFFFFFF80  }
0x2c: {  	[tilespmem:s10], [sflag:$0x3] =	stream.linear.gather [hbm4b:s19+s2], $0x80, $0x38;
	[tilespmem:$0x8100] =	vst v63  }
0x2d: {  	_ =	swait.ge [sflag:s9], $0x80  }
0x2e: {  	[sflag:s9] =	ssyncset.done $0x0  }
0x2f: {  	[sflag:s9] =	ssyncadd.s32 $0xFFFFFF80  }
0x30: {  	[tilespmem:s11], [sflag:$0x1] =	stream.indirect.gather [hbm4b:s3+s10], $0x80, s2, s10, $0xb8;
	[tilespmem:$0x8100] =	vst v63  }
0x31: {  	_ = 	snop  }
0x32: {  	[tilespmem:s12], [sflag:$0x2] =	stream.indirect.gather [hbm4b:s3+s10], $0x80, s10, s10, $0xb8;
	[tilespmem:$0x8100] =	vst v63  }
0x33: {  	_ =	swait.ge [sflag:s13], $0x4000  }
0x34: {  	[sflag:s13] =	ssyncset.done $0x0  }
0x35: {  	[sflag:s13] =	ssyncadd.s32 $0xFFFFC000  }
0x36: {  	_ =	swait.ge [sflag:s14], $0x4000  }
0x37: {  	[sflag:s14] =	ssyncset.done $0x0  }
0x38: {  	[sflag:s14] =	ssyncadd.s32 $0xFFFFC000  }
0x39: {  	[hbm4b:s17+s2] =	stream.linear.scatter [tilespmem:s11], [sflag:$0x3], $0x4000, $0x38;
	[tilespmem:$0x8100] =	vst v63  }
0x3a: {  	_ =	swait.ge [sflag:s9], $0x4000  }
.Ltmp0:
0x3b: {  	[sflag:s9] =	ssyncset.done $0x0;
	(pc) =	sbr.rel @p0 .LBB2_2-.Ltmp0, $4  }
0x3c: {  	[sflag:s9] =	ssyncadd.s32 $0xFFFFC000  }
0x3d: {  	[hbm4b:s16+s2] =	stream.linear.scatter [tilespmem:s12], [sflag:$0x3], $0x4000, $0x38;
	[tilespmem:$0x8100] =	vst v63  }
0x3e: {  	s19 =	smov.u32 s22;
	_ =	swait.ge [sflag:s9], $0x4000  }
0x3f: {  	s17 =	sadd.s32 $0x800, s17;
	s16 =	sadd.s32 $0x800, s16;
	[sflag:s9] =	ssyncset.done $0x0  }
0x40: {  	s19 =	sadd.s32 s18, s8;
	[sflag:s9] =	ssyncadd.s32 $0xFFFFC000  }
0x41: {  	[tilespmem:s2], [sflag:$0x3] =	stream.linear.gather [hbm4b:s19+s2], $0x80, $0x38;
	[tilespmem:$0x8100] =	vst v63  }
0x42: {  	_ =	swait.ge [sflag:s9], $0x80  }
0x43: {  	[sflag:s9] =	ssyncset.done $0x0  }
0x44: {  	s31 =	sadd.s32 s18, s7;
	[sflag:s9] =	ssyncadd.s32 $0xFFFFFF80  }
0x45: {  	[tilespmem:s10], [sflag:$0x3] =	stream.linear.gather [hbm4b:s31+s2], $0x80, $0x38;
	[tilespmem:$0x8100] =	vst v63  }
0x46: {  	_ =	swait.ge [sflag:s9], $0x80  }
0x47: {  	[sflag:s9] =	ssyncset.done $0x0  }
0x48: {  	[sflag:s9] =	ssyncadd.s32 $0xFFFFFF80  }
0x49: {  	[tilespmem:s11], [sflag:$0x1] =	stream.indirect.gather [hbm4b:s3+s10], $0x80, s2, s10, $0xb8;
	[tilespmem:$0x8100] =	vst v63  }
0x4a: {  	_ = 	snop  }
0x4b: {  	[tilespmem:s12], [sflag:$0x2] =	stream.indirect.gather [hbm4b:s3+s10], $0x80, s10, s10, $0xb8;
	[tilespmem:$0x8100] =	vst v63  }
0x4c: {  	_ =	swait.ge [sflag:s13], $0x4000  }
0x4d: {  	[sflag:s13] =	ssyncset.done $0x0  }
0x4e: {  	[sflag:s13] =	ssyncadd.s32 $0xFFFFC000  }
0x4f: {  	_ =	swait.ge [sflag:s14], $0x4000  }
0x50: {  	[sflag:s14] =	ssyncset.done $0x0  }
0x51: {  	[sflag:s14] =	ssyncadd.s32 $0xFFFFC000  }
0x52: {  	[hbm4b:s17+s2] =	stream.linear.scatter [tilespmem:s11], [sflag:$0x3], $0x4000, $0x38;
	[tilespmem:$0x8100] =	vst v63  }
0x53: {  	s15 =	sadd.s32 $0x1, s15;
	_ =	swait.ge [sflag:s9], $0x4000  }
0x54: {  	p0 =	sne.s32 s15, s4;
	[sflag:s9] =	ssyncset.done $0x0  }
.Ltmp1:
0x55: {  	[sflag:s9] =	ssyncadd.s32 $0xFFFFC000;
	(pc) =	sbr.rel @p0 .LBB2_1-.Ltmp1, $4  }
0x56: {  	[hbm4b:s16+s2] =	stream.linear.scatter [tilespmem:s12], [sflag:$0x3], $0x4000, $0x38;
	[tilespmem:$0x8100] =	vst v63  }
0x57: {  	_ =	swait.ge [sflag:s9], $0x4000  }
0x58: {  	[sflag:s9] =	ssyncset.done $0x0  }
0x59: {  	[sflag:s9] =	ssyncadd.s32 $0xFFFFC000  }
0x5a: {  	_ =	sfence.sel $0x180000  }
0x5b: {  	[bflag:$0x0] =	sbarrier.arrive $0xFFFF  }
0x5c: {  	p0 =	sne.s32 s1, $0x0;
	_ =	strace $0x90000047  }
0x5d: {  	s0 =	sadd.s32 @!p0 $0x100000, s0;
	[bflag:$0x2] =	sbarrier.arrive $0xFFFF  }
0x5e: {  	[sflag:s0] =	ssyncadd.tile.s32 @!p0 $0x1;
	_ =	shalt  }
.Lfunc_end2:
_tile_overlayer_lowered:
.L_overlay_start_2:
0x5f: {  	(tag) =	ssettag $0x2  }
0x60: {  	s0 =	rddreg [dreg:$0x0];
	s2 =	stileid.u32  }
0x61: {  	s1 =	rddreg [dreg:$0x1];
	p0 =	sne.s32 s2, $0x0  }
0x62: {  	s3 =	rddreg [dreg:$0x2];
	[bflag:$0x3] =	sbarrier.arrive $0xFFFF;
	s2 =	simm.s32 @!p0 $0x1C03  }
0x63: {  	[timem:s3], [sflag:s2] =	dma.local @!p0 [hbm:s0], s1  }
0x64: {  	s0 =	simm.s32 @!p0 $0x3  }
0x65: {  	_ =	swait.ge @!p0 [sflag:s0], s1  }
0x66: {  	s1 =	ssub.s32 @!p0 $0x0, s1;
	[sflag:s0] =	ssyncset.done @!p0 $0x0  }
0x67: {  	[sflag:s0] =	ssyncadd.s32 @!p0 s1  }
0x68: {  	[bflag:$0x3] =	sbarrier.arrive $0xFFFF  }
0x69: {  	_ =	shalt  }

// kernel: kernel.14.cloned.1.call-start
scs
__scs_entry_jumppad:
0x0: {  	(pc) =	sbr.rel $0x88, $3  }
0x1: {  	(tag) =	ssettag $0x0;
	lr =	simm.s32 $0x1  }
0x2: {  	[smem:$0x3F93] =	sst lr;
	_ =	strace $0xD0000000  }
0x3: {  	_ = 	snop  }
0x4: {  	_ = 	snop  }
0x5: {  	_ = 	snop  }
0x6: {  	_ = 	snop  }
0x7: {  	_ = 	snop  }
__scs_overlays_trampoline_lowered:
0x8: {  	[smem:$0x3FA2] =	sst s0  }
0x9: {  	[smem:$0x3FA3] =	sst s1  }
0xa: {  	[smem:$0x3FA4] =	sst s2  }
0xb: {  	[smem:$0x3FA5] =	sst s3  }
0xc: {  	[smem:$0x3FA6] =	sst s4  }
0xd: {  	[smem:$0x3FA7] =	sst s5  }
0xe: {  	[smem:$0x3FA8] =	sst s6  }
0xf: {  	[smem:$0x3FA9] =	sst s7  }
0x10: {  	[smem:$0x3FAA] =	sst s8  }
0x11: {  	[smem:$0x3FAB] =	sst s9;
	s0 =	simm.s32 @!p0 $0x0  }
0x12: {  	s1 =	sld [smem:$0x3F91];
	s0 =	simm.s32 @p0 $0x1  }
0x13: {  	[smem:$0x3FAC] =	sst s0;
	s0 =	simm.s32 @!p1 $0x0  }
0x14: {  	s2 =	sld [smem:$0x3F90];
	s0 =	simm.s32 @p1 $0x1  }
0x15: {  	[smem:$0x3FAD] =	sst s0;
	s0 =	simm.s32 @!p2 $0x0  }
0x16: {  	s3 =	sld [smem:$0x3FDB];
	s0 =	simm.s32 @p2 $0x1  }
0x17: {  	s4 =	simm.s32 $0x1BF5;
	[smem:$0x3FAF] =	sst s0  }
0x18: {  	s0 =	sld [smem:$0x3F92];
	_ =	swait.ge [sflag:s4], $0x0  }
0x19: {  	s7 =	sld [smem:$0x3F93]  }
0x1a: {  	s8 =	sadd.s32 $0xFFFFE003, lr  }
0x1b: {  	s9 =	sadd.s32 $0xFFFFFEF7, lr;
	s5 =	simm.s32 $0xFFFFFFFF;
	p2 =	slt.u32 s8, $0xFFFFF086  }
0x1c: {  	p1 =	slt.u32 s9, $0xF7A;
	s5 =	simm.s32 @!p2 $0x0  }
0x1d: {  	s5 =	simm.s32 @p1 $0x1;
	p0 =	seq.s32 s7, s2  }
0x1e: {  	s7 =	smul.u32 @!p0 $0xF7A, s2;
	p2 =	seq.s32 @!p0 s5, $0x0  }
0x1f: {  	s9 =	smul.u32 $0xF7A, s1;
	s8 =	simm.s32 @!p0 $0x1BF5;
	p2 =	por !p2, p0  }
0x20: {  	[sflag:s8] =	ssyncset.s32 @!p0 $0xFFFFF086;
	s6 =	sadd.s32 @!p0 s3, s7;
	s7 =	simm.s32 @!p0 $0x108  }
0x21: {  	s3 =	sadd.s32 s3, s9;
	s6 =	sadd.s32 @!p0 $0x88, s6;
	s7 =	simm.s32 @p2 $0x1082  }
0x22: {  	[simem:s7], [sflag:s8] =	dma.local @!p0 [hbm:s6], $0xF7A  }
0x23: {  	s9 =	sor.u32 $0xD0000000, s2;
	s6 =	simm.s32 $0x108;
	_ =	swait.ge @!p0 [sflag:s8], $0x0  }
0x24: {  	s3 =	sadd.s32 $0x88, s3;
	s6 =	simm.s32 @!p1 $0x1082;
	[sflag:s4] =	ssyncset.s32 $0xFFFFF086  }
0x25: {  	[simem:s6], [sflag:s4] =	dma.local [hbm:s3], $0xF7A  }
0x26: {  	[smem:$0x3F93] =	sst s1;
	(tag) =	ssettag s2;
	_ =	strace s9  }
0x27: {  	s1 =	sld [smem:$0x3FA3]  }
0x28: {  	s2 =	sld [smem:$0x3FA4]  }
0x29: {  	s4 =	sld [smem:$0x3FA6]  }
0x2a: {  	p0 =	seq.s32 s5, $0x0;
	s5 =	sld [smem:$0x3FA7]  }
0x2b: {  	s6 =	sld [smem:$0x3FA8]  }
0x2c: {  	s7 =	sld [smem:$0x3FA9]  }
0x2d: {  	s3 =	simm.s32 $0x108;
	s8 =	sld [smem:$0x3FAA]  }
0x2e: {  	s3 =	simm.s32 @!p0 $0x1082;
	s9 =	sld [smem:$0x3FAB]  }
0x2f: {  	lr =	sadd.s32 s0, s3;
	s0 =	sld [smem:$0x3FA2]  }
0x30: {  	s3 =	sld [smem:$0x3FA5]  }
0x31: {  	[smem:$0x3FAE] =	sst s10  }
0x32: {  	s10 =	sld [smem:$0x3FAC];
	_ =	sdelay $0x3  }
0x33: {  	p0 =	seq.s32 s10, $0x1;
	s10 =	sld [smem:$0x3FAE];
	_ =	sdelay $0x3  }
0x34: {  	[smem:$0x3FAE] =	sst s10  }
0x35: {  	s10 =	sld [smem:$0x3FAD];
	_ =	sdelay $0x3  }
0x36: {  	p1 =	seq.s32 s10, $0x1;
	s10 =	sld [smem:$0x3FAE];
	_ =	sdelay $0x3  }
0x37: {  	[smem:$0x3FAE] =	sst s10  }
0x38: {  	s10 =	sld [smem:$0x3FAF]  }
0x39: {  	_ = 	snop;
	(pc) =	sbr.ind lr, $3  }
0x3a: {  	_ = 	snop  }
0x3b: {  	_ = 	snop  }
0x3c: {  	p2 =	seq.s32 s10, $0x1;
	s10 =	sld [smem:$0x3FAE]  }
0x3d: {  	_ =	shalt  }
0x3e: {  	_ =	shalt  }
0x3f: {  	_ =	shalt  }
0x40: {  	_ =	shalt  }
0x41: {  	_ =	shalt  }
0x42: {  	_ =	shalt  }
0x43: {  	_ =	shalt  }
0x44: {  	_ =	shalt  }
0x45: {  	_ =	shalt  }
0x46: {  	_ =	shalt  }
0x47: {  	_ =	shalt  }
0x48: {  	_ =	shalt  }
0x49: {  	_ =	shalt  }
0x4a: {  	_ =	shalt  }
0x4b: {  	_ =	shalt  }
0x4c: {  	_ =	shalt  }
0x4d: {  	_ =	shalt  }
0x4e: {  	_ =	shalt  }
0x4f: {  	_ =	shalt  }
0x50: {  	_ =	shalt  }
0x51: {  	_ =	shalt  }
0x52: {  	_ =	shalt  }
0x53: {  	_ =	shalt  }
0x54: {  	_ =	shalt  }
0x55: {  	_ =	shalt  }
0x56: {  	_ =	shalt  }
0x57: {  	_ =	shalt  }
0x58: {  	_ =	shalt  }
0x59: {  	_ =	shalt  }
0x5a: {  	_ =	shalt  }
0x5b: {  	_ =	shalt  }
0x5c: {  	_ =	shalt  }
0x5d: {  	_ =	shalt  }
0x5e: {  	_ =	shalt  }
0x5f: {  	_ =	shalt  }
0x60: {  	_ =	shalt  }
0x61: {  	_ =	shalt  }
0x62: {  	_ =	shalt  }
0x63: {  	_ =	shalt  }
0x64: {  	_ =	shalt  }
0x65: {  	_ =	shalt  }
0x66: {  	_ =	shalt  }
0x67: {  	_ =	shalt  }
0x68: {  	_ =	shalt  }
0x69: {  	_ =	shalt  }
0x6a: {  	_ =	shalt  }
0x6b: {  	_ =	shalt  }
0x6c: {  	_ =	shalt  }
0x6d: {  	_ =	shalt  }
0x6e: {  	_ =	shalt  }
0x6f: {  	_ =	shalt  }
0x70: {  	_ =	shalt  }
0x71: {  	_ =	shalt  }
0x72: {  	_ =	shalt  }
0x73: {  	_ =	shalt  }
0x74: {  	_ =	shalt  }
0x75: {  	_ =	shalt  }
0x76: {  	_ =	shalt  }
0x77: {  	_ =	shalt  }
0x78: {  	_ =	shalt  }
0x79: {  	_ =	shalt  }
0x7a: {  	_ =	shalt  }
0x7b: {  	_ =	shalt  }
0x7c: {  	_ =	shalt  }
0x7d: {  	_ =	shalt  }
0x7e: {  	_ =	shalt  }
0x7f: {  	_ =	shalt  }
0x80: {  	_ =	shalt  }
0x81: {  	_ =	shalt  }
0x82: {  	_ =	shalt  }
0x83: {  	_ =	shalt  }
0x84: {  	_ =	shalt  }
0x85: {  	_ =	shalt  }
0x86: {  	_ =	shalt  }
0x87: {  	_ =	shalt  }
.Lfunc_end0:
.L_simem_size_0:
called_computation.1_lowered:
.L_overlay_start_0:
0x88: {  	s2 =	sld [smem:$0x3FD9]  }
0x89: {  	s3 =	sld [smem:$0x3FFE];
	_ =	sdelay $0x1  }
0x8a: {  	s1 =	srdreg.scid  }
0x8b: {  	s0 =	sand.u32 $0x1, s1  }
0x8c: {  	s16 =	sshll.u32 s0, $0xA;
	s2 =	sadd.s32 s3, s2  }
0x8d: {  	s2 =	sadd.s32 s2, s16  }
0x8e: {  	[smem:$0x3FBA] =	sst s2  }
0x8f: {  	_ = 	snop  }
0x90: {  	(tm) =	ssettm $0x1  }
0x91: {  	s17 =	sld [smem:$0x3FFB];
	_ =	sdelay $0x3  }
0x92: {  	_ =	strace s17  }
0x93: {  	s2 =	sld [smem:$0x3FFC];
	_ =	sdelay $0x3  }
0x94: {  	_ =	strace s2  }
0x95: {  	s2 =	sld [smem:$0x3FFD];
	_ =	sdelay $0x3  }
0x96: {  	_ =	strace s2  }
0x97: {  	_ =	strace $0x8FFFFFFF  }
0x98: {  	s18 =	sld [smem:$0x3FDB];
	_ =	sdelay $0x1  }
0x99: {  	s19 =	simm.s32 $_scs_section_size  }
0x9a: {  	s4 =	simm.s32 $_size__tile_overlayer_lowered;
	s5 =	simm.s32 $_tile_overlayer_lowered  }
0x9b: {  	s22 =	simm.s32 $0x1BFF;
	s21 =	sshll.u32 s5, $0x1;
	s2 =	sadd.s32 s19, s18  }
0x9c: {  	s6 =	simm.s32 $0x0;
	s20 =	sshll.u32 s4, $0x1;
	s4 =	sadd.s32 s21, s2  }
0x9d: {  	[timem:s6], [sflag:s22] =	dma.local [hbm:s4], s20  }
0x9e: {  	_ =	swait.ge [sflag:s22], s20  }
0x9f: {  	s3 =	ssub.s32 $0x0, s20;
	[sflag:s22] =	ssyncset.done $0x0  }
0xa0: {  	[sflag:s22] =	ssyncadd.s32 s3;
	_ =	sdelay $0x1  }
0xa1: {  	s23 =	simm.s32 $0x1B8B  }
0xa2: {  	_ =	swait.ge [sflag:s23], $0x1  }
0xa3: {  	[sflag:s23] =	ssyncset.done $0x0  }
0xa4: {  	s25 =	simm.s32 $0x1B8E;
	s24 =	sld [smem:$0x3FFE];
	[sflag:s23] =	ssyncadd.s32 $0xFFFFFFFF  }
0xa5: {  	s26 =	simm.s32 $execute0_lowered;
	[smem:$0x3FD2] =	sst s25  }
0xa6: {  	s4 =	sshll.u32 s26, $0x1;
	_ =	strace $0x80000049;
	[dreg:$0x1] =	wrdreg $0xFFFFFFFF  }
0xa7: {  	s28 =	simm.s32 $_size_execute0_lowered;
	s2 =	sadd.s32 s2, s4;
	[dreg:$0x0] =	wrdreg $0x0  }
0xa8: {  	s4 =	sshll.u32 s28, $0x1;
	[dreg:$0x2] =	wrdreg s2  }
0xa9: {  	[dreg:$0x3] =	wrdreg s4  }
0xaa: {  	[dreg:$0x4] =	wrdreg $0xC0  }
0xab: {  	_ =	task [dreg:s6], $0x5FFFF  }
0xac: {  	[dreg:$0x1] =	wrdreg $0xFFFFFFFF  }
0xad: {  	[dreg:$0x0] =	wrdreg $0x60  }
0xae: {  	[dreg:$0x2] =	wrdreg s24  }
0xaf: {  	[dreg:$0x3] =	wrdreg $0x40800  }
0xb0: {  	[dreg:$0x4] =	wrdreg $0x9  }
0xb1: {  	_ =	task.clear_ibuf [dreg:s6], $0x5FFFF;
	_ =	strace $0x90000049  }
0xb2: {  	s29 =	simm.s32 $0x9;
	_ =	strace $0x8000004B  }
0xb3: {  	_ =	swait.ge [sflag:s29], $0x1  }
0xb4: {  	[sflag:s29] =	ssyncadd.s32 $0xFFFFFFFF  }
0xb5: {  	_ =	strace $0x9000004B  }
0xb6: {  	_ =	sfence  }
0xb7: {  	s30 =	sld [smem:$0x0];
	_ =	sdelay $0x2  }
0xb8: {  	s31 =	sshll.u32 s1, $0xD;
	s1 =	sshrl.u32 s1, $0x2  }
0xb9: {  	s3 =	sand.u32 $0x4000, s31;
	s1 =	sadd.s32 s1, s30  }
0xba: {  	s0 =	sor.u32 s3, s0;
	s1 =	sshll.u32 s1, $0x11  }
0xbb: {  	s0 =	sor.u32 s1, s0  }
0xbc: {  	s0 =	sadd.s32 $0x8F2B, s0  }
0xbd: {  	[sflag:s0] =	ssyncadd.remote.s32 $0x1  }
0xbe: {  	_ =	sfence.sel $0xFFFF  }
0xbf: {  	[dreg:$0x0] =	wrdreg $0xFFFFFFFF;
	(pc) =	sbr.abs _section_cstart, $3  }
0xc0: {  	[dreg:$0x1] =	wrdreg $0xFFFFFFFF  }
0xc1: {  	_ =	task.clear_ibuf [dreg:s6], $0x2FFFF;
	_ =	strace $0x9FFFFFFF  }
0xc2: {  	(tm) =	ssettm $0x7FFFFFFF  }
0xc3: {  	_ =	shalt  }
tec
execute0_lowered:
.L_overlay_start_1:
0x0: {  	(tag) =	ssettag $0x1  }
0x1: {  	s0 =	stileid.u32  }
0x2: {  	s6 =	smul.u32 $0x5100, s0  }
0x3: {  	s1 =	srdreg.scid;
	s8 =	smul.u32 $0x51000, s0  }
0x4: {  	s4 =	rddreg [dreg:$0x0];
	s25 =	smul.u32 $0x17800, s0  }
0x5: {  	s2 =	rddreg [dreg:$0x1];
	s5 =	sand.u32 $0x1, s1;
	s12 =	smul.u32 $0x5E000, s0  }
0x6: {  	s3 =	simm.s32 $0x0;
	s1 =	rddreg [dreg:$0x2];
	s7 =	smul.u32 $0x2880, s5  }
0x7: {  	[smem:$0x7FF] =	sst s3;
	s30 =	sshll.u32 s0, $0x6;
	s9 =	smul.u32 $0x178000, s5  }
0x8: {  	_ =	strace $0x8000004A;
	s28 =	ssub.s32 $0x2, s5;
	s31 =	smul.u32 $0x28800, s5  }
0x9: {  	s5 =	sor.u32 $0x1C01, s30;
	s8 =	sadd.s32 s8, s4;
	s26 =	sshrl.u32 s25, $0x3  }
0xa: {  	s11 =	sshrl.u32 s28, $0x1;
	s29 =	sshrl.u32 s12, $0x2;
	s12 =	simm.s32 $0x80  }
0xb: {  	s6 =	sadd.s32 s7, s6;
	s7 =	sadd.s32 s25, s9;
	s9 =	ssub.s32 s28, s11  }
0xc: {  	s13 =	sadd.s32 s29, s2;
	s8 =	sadd.s32 s31, s8;
	s11 =	simm.s32 $0x1  }
0xd: {  	s6 =	sshrl.u32 s6, $0x3;
	s7 =	sshrl.u32 s7, $0x3;
	s8 =	sadd.s32 $0xA5D600, s8  }
0xe: {  	s10 =	sadd.s32 s6, s4;
	s6 =	sadd.s32 s26, s4;
	s7 =	sadd.s32 s7, s4  }
0xf: {  	s4 =	sadd.s32 $0x16400, s6;
	s6 =	sadd.s32 $0x45400, s7;
	s7 =	smax.u32 s9, $0x1  }
0x10: {  	s9 =	sadd.s32 $0x2000, s10;
	s10 =	sshrl.u32 s13, $0x3;
	s13 =	simm.s32 $0x0  }
.LBB2_1:
0x11: {  	[spmem:s10], [sflag:s5] =	dma.local [hbm:s4], $0x2F00  }
0x12: {  	_ =	swait.ge [sflag:s11], $0x2F00  }
0x13: {  	[sflag:s11] =	ssyncset.done $0x0  }
0x14: {  	[sflag:s11] =	ssyncadd.s32 $0xFFFFD100  }
0x15: {  	s14 =	sadd.s32 $0x0, s9;
	[bflag:$0x0] =	sbarrier.arrive $0xFFFF  }
0x16: {  	[tilespmem:s3], [sflag:$0x1] =	stream.linear.gather [hbm4b:s14+s3], $0x80, $0x38;
	[tilespmem:$0x1B880] =	vst v63  }
0x17: {  	_ =	swait.ge [sflag:s11], $0x80  }
0x18: {  	[sflag:s11] =	ssyncset.done $0x0  }
0x19: {  	[sflag:s11] =	ssyncadd.s32 $0xFFFFFF80  }
0x1a: {  	[tilespmem:s12], [sflag:$0x1] =	stream.linear.gather [hbm4b:s8+s3], $0x4000, $0x38;
	[tilespmem:$0x1B880] =	vst v63  }
0x1b: {  	_ =	swait.ge [sflag:s11], $0x4000  }
0x1c: {  	[sflag:s11] =	ssyncset.done $0x0  }
0x1d: {  	[sflag:s11] =	ssyncadd.s32 $0xFFFFC000  }
0x1e: {  	[spmem:s2] =	stream.indirect.scatter.add.f32 [tilespmem:s12], [sflag:$0x1], $0x80, s3, s12, $0xb8;
	[tilespmem:$0x1B880] =	vst v63  }
0x1f: {  	s15 =	simm.s32 $0x10;
	_ =	swait.ge [sflag:s11], $0x4000  }
0x20: {  	s16 =	simm.s32 $0x20;
	s14 =	sadd.s32 $0x800, s8;
	[sflag:s11] =	ssyncset.done $0x0  }
.LBB2_2:
0x21: {  	s17 =	sadd.s32 s15, s9  }
0x22: {  	[sflag:s11] =	ssyncadd.s32 $0xFFFFC000;
	s15 =	smov.u32 s16;
	s18 =	sadd.s32 $0x10, s16  }
0x23: {  	[tilespmem:s3], [sflag:$0x1] =	stream.linear.gather [hbm4b:s17+s3], $0x80, $0x38;
	[tilespmem:$0x1B880] =	vst v63  }
0x24: {  	p0 =	sne.s32 s16, $0x500;
	_ =	swait.ge [sflag:s11], $0x80  }
0x25: {  	[sflag:s11] =	ssyncset.done $0x0  }
0x26: {  	[sflag:s11] =	ssyncadd.s32 $0xFFFFFF80  }
0x27: {  	[tilespmem:s12], [sflag:$0x1] =	stream.linear.gather [hbm4b:s14+s3], $0x4000, $0x38;
	[tilespmem:$0x1B880] =	vst v63  }
0x28: {  	_ =	swait.ge [sflag:s11], $0x4000  }
.Ltmp0:
0x29: {  	[sflag:s11] =	ssyncset.done $0x0;
	(pc) =	sbr.rel @p0 .LBB2_2-.Ltmp0, $4  }
0x2a: {  	[sflag:s11] =	ssyncadd.s32 $0xFFFFC000  }
0x2b: {  	[spmem:s2] =	stream.indirect.scatter.add.f32 [tilespmem:s12], [sflag:$0x1], $0x80, s3, s12, $0xb8;
	[tilespmem:$0x1B880] =	vst v63  }
0x2c: {  	_ =	swait.ge [sflag:s11], $0x4000  }
0x2d: {  	s16 =	smov.u32 s18;
	s14 =	sadd.s32 $0x800, s14;
	[sflag:s11] =	ssyncset.done $0x0  }
0x2e: {  	s15 =	sadd.s32 s15, s9;
	[sflag:s11] =	ssyncadd.s32 $0xFFFFC000  }
0x2f: {  	[tilespmem:s3], [sflag:$0x1] =	stream.linear.gather [hbm4b:s15+s3], $0x80, $0x38;
	[tilespmem:$0x1B880] =	vst v63  }
0x30: {  	_ =	swait.ge [sflag:s11], $0x80  }
0x31: {  	[sflag:s11] =	ssyncset.done $0x0  }
0x32: {  	[sflag:s11] =	ssyncadd.s32 $0xFFFFFF80  }
0x33: {  	[tilespmem:s12], [sflag:$0x1] =	stream.linear.gather [hbm4b:s14+s3], $0x4000, $0x38;
	[tilespmem:$0x1B880] =	vst v63  }
0x34: {  	_ =	swait.ge [sflag:s11], $0x4000  }
0x35: {  	[sflag:s11] =	ssyncset.done $0x0  }
0x36: {  	[sflag:s11] =	ssyncadd.s32 $0xFFFFC000  }
0x37: {  	[spmem:s2] =	stream.indirect.scatter.add.f32 [tilespmem:s12], [sflag:$0x1], $0x80, s3, s12, $0xb8;
	[tilespmem:$0x1B880] =	vst v63  }
0x38: {  	_ =	swait.ge [sflag:s11], $0x4000  }
0x39: {  	s13 =	sadd.s32 $0x1, s13;
	[sflag:s11] =	ssyncset.done $0x0  }
0x3a: {  	p0 =	sne.s32 s13, s7;
	[sflag:s11] =	ssyncadd.s32 $0xFFFFC000  }
.Ltmp1:
0x3b: {  	[bflag:$0x0] =	sbarrier.arrive $0xFFFF;
	(pc) =	sbr.rel @p0 .LBB2_1-.Ltmp1, $4  }
0x3c: {  	[hbm:s6], [sflag:s5] =	dma.local [spmem:s10], $0x2F00  }
0x3d: {  	_ =	swait.ge [sflag:s11], $0x2F00  }
0x3e: {  	[sflag:s11] =	ssyncset.done $0x0  }
0x3f: {  	[sflag:s11] =	ssyncadd.s32 $0xFFFFD100  }
0x40: {  	_ =	sfence.sel $0x180000  }
0x41: {  	[bflag:$0x0] =	sbarrier.arrive $0xFFFF  }
0x42: {  	p0 =	sne.s32 s0, $0x0;
	_ =	strace $0x9000004A  }
0x43: {  	s0 =	sadd.s32 @!p0 $0x100000, s1;
	[bflag:$0x2] =	sbarrier.arrive $0xFFFF  }
0x44: {  	[sflag:s0] =	ssyncadd.tile.s32 @!p0 $0x1;
	_ =	shalt  }
.Lfunc_end2:
_tile_overlayer_lowered:
.L_overlay_start_2:
0x45: {  	(tag) =	ssettag $0x2  }
0x46: {  	s0 =	rddreg [dreg:$0x0];
	s2 =	stileid.u32  }
0x47: {  	s1 =	rddreg [dreg:$0x1];
	p0 =	sne.s32 s2, $0x0  }
0x48: {  	s3 =	rddreg [dreg:$0x2];
	[bflag:$0x3] =	sbarrier.arrive $0xFFFF;
	s2 =	simm.s32 @!p0 $0x1C01  }
0x49: {  	[timem:s3], [sflag:s2] =	dma.local @!p0 [hbm:s0], s1  }
0x4a: {  	s0 =	simm.s32 @!p0 $0x1  }
0x4b: {  	_ =	swait.ge @!p0 [sflag:s0], s1  }
0x4c: {  	s1 =	ssub.s32 @!p0 $0x0, s1;
	[sflag:s0] =	ssyncset.done @!p0 $0x0  }
0x4d: {  	[sflag:s0] =	ssyncadd.s32 @!p0 s1  }
0x4e: {  	[bflag:$0x3] =	sbarrier.arrive $0xFFFF  }
0x4f: {  	_ =	shalt  }

// kernel: kernel.17.cloned.1.call-start
scs
__scs_entry_jumppad:
0x0: {  	(pc) =	sbr.rel $0x88, $3  }
0x1: {  	(tag) =	ssettag $0x0;
	lr =	simm.s32 $0x1  }
0x2: {  	[smem:$0x3F93] =	sst lr;
	_ =	strace $0xD0000000  }
0x3: {  	_ = 	snop  }
0x4: {  	_ = 	snop  }
0x5: {  	_ = 	snop  }
0x6: {  	_ = 	snop  }
0x7: {  	_ = 	snop  }
__scs_overlays_trampoline_lowered:
0x8: {  	[smem:$0x3FA2] =	sst s0  }
0x9: {  	[smem:$0x3FA3] =	sst s1  }
0xa: {  	[smem:$0x3FA4] =	sst s2  }
0xb: {  	[smem:$0x3FA5] =	sst s3  }
0xc: {  	[smem:$0x3FA6] =	sst s4  }
0xd: {  	[smem:$0x3FA7] =	sst s5  }
0xe: {  	[smem:$0x3FA8] =	sst s6  }
0xf: {  	[smem:$0x3FA9] =	sst s7  }
0x10: {  	[smem:$0x3FAA] =	sst s8  }
0x11: {  	[smem:$0x3FAB] =	sst s9;
	s0 =	simm.s32 @!p0 $0x0  }
0x12: {  	s1 =	sld [smem:$0x3F91];
	s0 =	simm.s32 @p0 $0x1  }
0x13: {  	[smem:$0x3FAC] =	sst s0;
	s0 =	simm.s32 @!p1 $0x0  }
0x14: {  	s2 =	sld [smem:$0x3F90];
	s0 =	simm.s32 @p1 $0x1  }
0x15: {  	[smem:$0x3FAD] =	sst s0;
	s0 =	simm.s32 @!p2 $0x0  }
0x16: {  	s3 =	sld [smem:$0x3FDB];
	s0 =	simm.s32 @p2 $0x1  }
0x17: {  	s4 =	simm.s32 $0x1BF5;
	[smem:$0x3FAF] =	sst s0  }
0x18: {  	s0 =	sld [smem:$0x3F92];
	_ =	swait.ge [sflag:s4], $0x0  }
0x19: {  	s7 =	sld [smem:$0x3F93]  }
0x1a: {  	s8 =	sadd.s32 $0xFFFFE003, lr  }
0x1b: {  	s9 =	sadd.s32 $0xFFFFFEF7, lr;
	s5 =	simm.s32 $0xFFFFFFFF;
	p2 =	slt.u32 s8, $0xFFFFF086  }
0x1c: {  	p1 =	slt.u32 s9, $0xF7A;
	s5 =	simm.s32 @!p2 $0x0  }
0x1d: {  	s5 =	simm.s32 @p1 $0x1;
	p0 =	seq.s32 s7, s2  }
0x1e: {  	s7 =	smul.u32 @!p0 $0xF7A, s2;
	p2 =	seq.s32 @!p0 s5, $0x0  }
0x1f: {  	s9 =	smul.u32 $0xF7A, s1;
	s8 =	simm.s32 @!p0 $0x1BF5;
	p2 =	por !p2, p0  }
0x20: {  	[sflag:s8] =	ssyncset.s32 @!p0 $0xFFFFF086;
	s6 =	sadd.s32 @!p0 s3, s7;
	s7 =	simm.s32 @!p0 $0x108  }
0x21: {  	s3 =	sadd.s32 s3, s9;
	s6 =	sadd.s32 @!p0 $0x88, s6;
	s7 =	simm.s32 @p2 $0x1082  }
0x22: {  	[simem:s7], [sflag:s8] =	dma.local @!p0 [hbm:s6], $0xF7A  }
0x23: {  	s9 =	sor.u32 $0xD0000000, s2;
	s6 =	simm.s32 $0x108;
	_ =	swait.ge @!p0 [sflag:s8], $0x0  }
0x24: {  	s3 =	sadd.s32 $0x88, s3;
	s6 =	simm.s32 @!p1 $0x1082;
	[sflag:s4] =	ssyncset.s32 $0xFFFFF086  }
0x25: {  	[simem:s6], [sflag:s4] =	dma.local [hbm:s3], $0xF7A  }
0x26: {  	[smem:$0x3F93] =	sst s1;
	(tag) =	ssettag s2;
	_ =	strace s9  }
0x27: {  	s1 =	sld [smem:$0x3FA3]  }
0x28: {  	s2 =	sld [smem:$0x3FA4]  }
0x29: {  	s4 =	sld [smem:$0x3FA6]  }
0x2a: {  	p0 =	seq.s32 s5, $0x0;
	s5 =	sld [smem:$0x3FA7]  }
0x2b: {  	s6 =	sld [smem:$0x3FA8]  }
0x2c: {  	s7 =	sld [smem:$0x3FA9]  }
0x2d: {  	s3 =	simm.s32 $0x108;
	s8 =	sld [smem:$0x3FAA]  }
0x2e: {  	s3 =	simm.s32 @!p0 $0x1082;
	s9 =	sld [smem:$0x3FAB]  }
0x2f: {  	lr =	sadd.s32 s0, s3;
	s0 =	sld [smem:$0x3FA2]  }
0x30: {  	s3 =	sld [smem:$0x3FA5]  }
0x31: {  	[smem:$0x3FAE] =	sst s10  }
0x32: {  	s10 =	sld [smem:$0x3FAC];
	_ =	sdelay $0x3  }
0x33: {  	p0 =	seq.s32 s10, $0x1;
	s10 =	sld [smem:$0x3FAE];
	_ =	sdelay $0x3  }
0x34: {  	[smem:$0x3FAE] =	sst s10  }
0x35: {  	s10 =	sld [smem:$0x3FAD];
	_ =	sdelay $0x3  }
0x36: {  	p1 =	seq.s32 s10, $0x1;
	s10 =	sld [smem:$0x3FAE];
	_ =	sdelay $0x3  }
0x37: {  	[smem:$0x3FAE] =	sst s10  }
0x38: {  	s10 =	sld [smem:$0x3FAF]  }
0x39: {  	_ = 	snop;
	(pc) =	sbr.ind lr, $3  }
0x3a: {  	_ = 	snop  }
0x3b: {  	_ = 	snop  }
0x3c: {  	p2 =	seq.s32 s10, $0x1;
	s10 =	sld [smem:$0x3FAE]  }
0x3d: {  	_ =	shalt  }
0x3e: {  	_ =	shalt  }
0x3f: {  	_ =	shalt  }
0x40: {  	_ =	shalt  }
0x41: {  	_ =	shalt  }
0x42: {  	_ =	shalt  }
0x43: {  	_ =	shalt  }
0x44: {  	_ =	shalt  }
0x45: {  	_ =	shalt  }
0x46: {  	_ =	shalt  }
0x47: {  	_ =	shalt  }
0x48: {  	_ =	shalt  }
0x49: {  	_ =	shalt  }
0x4a: {  	_ =	shalt  }
0x4b: {  	_ =	shalt  }
0x4c: {  	_ =	shalt  }
0x4d: {  	_ =	shalt  }
0x4e: {  	_ =	shalt  }
0x4f: {  	_ =	shalt  }
0x50: {  	_ =	shalt  }
0x51: {  	_ =	shalt  }
0x52: {  	_ =	shalt  }
0x53: {  	_ =	shalt  }
0x54: {  	_ =	shalt  }
0x55: {  	_ =	shalt  }
0x56: {  	_ =	shalt  }
0x57: {  	_ =	shalt  }
0x58: {  	_ =	shalt  }
0x59: {  	_ =	shalt  }
0x5a: {  	_ =	shalt  }
0x5b: {  	_ =	shalt  }
0x5c: {  	_ =	shalt  }
0x5d: {  	_ =	shalt  }
0x5e: {  	_ =	shalt  }
0x5f: {  	_ =	shalt  }
0x60: {  	_ =	shalt  }
0x61: {  	_ =	shalt  }
0x62: {  	_ =	shalt  }
0x63: {  	_ =	shalt  }
0x64: {  	_ =	shalt  }
0x65: {  	_ =	shalt  }
0x66: {  	_ =	shalt  }
0x67: {  	_ =	shalt  }
0x68: {  	_ =	shalt  }
0x69: {  	_ =	shalt  }
0x6a: {  	_ =	shalt  }
0x6b: {  	_ =	shalt  }
0x6c: {  	_ =	shalt  }
0x6d: {  	_ =	shalt  }
0x6e: {  	_ =	shalt  }
0x6f: {  	_ =	shalt  }
0x70: {  	_ =	shalt  }
0x71: {  	_ =	shalt  }
0x72: {  	_ =	shalt  }
0x73: {  	_ =	shalt  }
0x74: {  	_ =	shalt  }
0x75: {  	_ =	shalt  }
0x76: {  	_ =	shalt  }
0x77: {  	_ =	shalt  }
0x78: {  	_ =	shalt  }
0x79: {  	_ =	shalt  }
0x7a: {  	_ =	shalt  }
0x7b: {  	_ =	shalt  }
0x7c: {  	_ =	shalt  }
0x7d: {  	_ =	shalt  }
0x7e: {  	_ =	shalt  }
0x7f: {  	_ =	shalt  }
0x80: {  	_ =	shalt  }
0x81: {  	_ =	shalt  }
0x82: {  	_ =	shalt  }
0x83: {  	_ =	shalt  }
0x84: {  	_ =	shalt  }
0x85: {  	_ =	shalt  }
0x86: {  	_ =	shalt  }
0x87: {  	_ =	shalt  }
.Lfunc_end0:
.L_simem_size_0:
called_computation.2_lowered:
.L_overlay_start_0:
0x88: {  	s2 =	sld [smem:$0x3FD9]  }
0x89: {  	s3 =	sld [smem:$0x3FFE];
	_ =	sdelay $0x1  }
0x8a: {  	s1 =	srdreg.scid  }
0x8b: {  	s0 =	sand.u32 $0x1, s1  }
0x8c: {  	s16 =	sshll.u32 s0, $0xA;
	s2 =	sadd.s32 s3, s2  }
0x8d: {  	s2 =	sadd.s32 s2, s16  }
0x8e: {  	[smem:$0x3FBA] =	sst s2  }
0x8f: {  	_ = 	snop  }
0x90: {  	(tm) =	ssettm $0x1  }
0x91: {  	s17 =	sld [smem:$0x3FFB];
	_ =	sdelay $0x3  }
0x92: {  	_ =	strace s17  }
0x93: {  	s2 =	sld [smem:$0x3FFC];
	_ =	sdelay $0x3  }
0x94: {  	_ =	strace s2  }
0x95: {  	s2 =	sld [smem:$0x3FFD];
	_ =	sdelay $0x3  }
0x96: {  	_ =	strace s2  }
0x97: {  	_ =	strace $0x8FFFFFFF  }
0x98: {  	s18 =	sld [smem:$0x3FDB];
	_ =	sdelay $0x1  }
0x99: {  	s19 =	simm.s32 $_scs_section_size  }
0x9a: {  	s4 =	simm.s32 $_size__tile_overlayer_lowered;
	s5 =	simm.s32 $_tile_overlayer_lowered  }
0x9b: {  	s22 =	simm.s32 $0x1BFF;
	s21 =	sshll.u32 s5, $0x1;
	s2 =	sadd.s32 s19, s18  }
0x9c: {  	s6 =	simm.s32 $0x0;
	s20 =	sshll.u32 s4, $0x1;
	s4 =	sadd.s32 s21, s2  }
0x9d: {  	[timem:s6], [sflag:s22] =	dma.local [hbm:s4], s20  }
0x9e: {  	_ =	swait.ge [sflag:s22], s20  }
0x9f: {  	s3 =	ssub.s32 $0x0, s20;
	[sflag:s22] =	ssyncset.done $0x0  }
0xa0: {  	[sflag:s22] =	ssyncadd.s32 s3;
	_ =	sdelay $0x1  }
0xa1: {  	s23 =	simm.s32 $0x1B8B  }
0xa2: {  	_ =	swait.ge [sflag:s23], $0x1  }
0xa3: {  	[sflag:s23] =	ssyncset.done $0x0  }
0xa4: {  	s25 =	simm.s32 $0x1B8E;
	s24 =	sld [smem:$0x3FFE];
	[sflag:s23] =	ssyncadd.s32 $0xFFFFFFFF  }
0xa5: {  	s26 =	simm.s32 $execute0_lowered;
	[smem:$0x3FD2] =	sst s25  }
0xa6: {  	s4 =	sshll.u32 s26, $0x1;
	_ =	strace $0x8000004C;
	[dreg:$0x1] =	wrdreg $0xFFFFFFFF  }
0xa7: {  	s28 =	simm.s32 $_size_execute0_lowered;
	s2 =	sadd.s32 s2, s4;
	[dreg:$0x0] =	wrdreg $0x0  }
0xa8: {  	s4 =	sshll.u32 s28, $0x1;
	[dreg:$0x2] =	wrdreg s2  }
0xa9: {  	[dreg:$0x3] =	wrdreg s4  }
0xaa: {  	[dreg:$0x4] =	wrdreg $0xC0  }
0xab: {  	_ =	task [dreg:s6], $0x5FFFF  }
0xac: {  	[dreg:$0x1] =	wrdreg $0xFFFFFFFF  }
0xad: {  	[dreg:$0x0] =	wrdreg $0x60  }
0xae: {  	[dreg:$0x2] =	wrdreg s24  }
0xaf: {  	[dreg:$0x3] =	wrdreg $0x9  }
0xb0: {  	_ =	task.clear_ibuf [dreg:s6], $0x4FFFF;
	_ =	strace $0x9000004C  }
0xb1: {  	s29 =	simm.s32 $0x9;
	_ =	strace $0x8000004E  }
0xb2: {  	_ =	swait.ge [sflag:s29], $0x1  }
0xb3: {  	[sflag:s29] =	ssyncadd.s32 $0xFFFFFFFF  }
0xb4: {  	_ =	strace $0x9000004E  }
0xb5: {  	_ =	sfence  }
0xb6: {  	s30 =	sld [smem:$0x0];
	_ =	sdelay $0x2  }
0xb7: {  	s31 =	sshll.u32 s1, $0xD;
	s1 =	sshrl.u32 s1, $0x2  }
0xb8: {  	s3 =	sand.u32 $0x4000, s31;
	s1 =	sadd.s32 s1, s30  }
0xb9: {  	s0 =	sor.u32 s3, s0;
	s1 =	sshll.u32 s1, $0x11  }
0xba: {  	s0 =	sor.u32 s1, s0  }
0xbb: {  	s0 =	sadd.s32 $0x8F2B, s0  }
0xbc: {  	[sflag:s0] =	ssyncadd.remote.s32 $0x1  }
0xbd: {  	_ =	sfence.sel $0xFFFF  }
0xbe: {  	[dreg:$0x0] =	wrdreg $0xFFFFFFFF;
	(pc) =	sbr.abs _section_cstart, $3  }
0xbf: {  	[dreg:$0x1] =	wrdreg $0xFFFFFFFF  }
0xc0: {  	_ =	task.clear_ibuf [dreg:s6], $0x2FFFF;
	_ =	strace $0x9FFFFFFF  }
0xc1: {  	(tm) =	ssettm $0x7FFFFFFF  }
tec
execute0_lowered:
.L_overlay_start_1:
0x0: {  	(tag) =	ssettag $0x1  }
0x1: {  	s4 =	rddreg [dreg:$0x0]  }
0x2: {  	s0 =	rddreg [dreg:$0x1];
	s3 =	srdreg.scid  }
0x3: {  	s1 =	stileid.u32;
	s2 =	simm.s32 $0x0;
	s11 =	simm.s32 $0x100  }
0x4: {  	s12 =	simm.s32 $0x4100;
	s13 =	simm.s32 $0x1;
	s6 =	smul.u32 $0x5100, s1  }
0x5: {  	s14 =	simm.s32 $0x2;
	s5 =	sand.u32 $0x1, s3;
	s8 =	smul.u32 $0x51000, s1  }
0x6: {  	s15 =	simm.s32 $0x0;
	[smem:$0x7FF] =	sst s2;
	s7 =	smul.u32 $0x2880, s5  }
0x7: {  	s3 =	sadd.s32 $0x45400, s4;
	s29 =	ssub.s32 $0x2, s5;
	s5 =	smul.u32 $0x28800, s5  }
0x8: {  	_ =	strace $0x8000004D;
	s8 =	sadd.s32 s8, s4;
	s9 =	sshrl.u32 s29, $0x1  }
0x9: {  	s6 =	sadd.s32 s7, s6;
	s30 =	ssub.s32 s29, s9;
	s31 =	sadd.s32 s5, s8  }
0xa: {  	s9 =	simm.s32 $0x3;
	s6 =	sshrl.u32 s6, $0x3;
	s5 =	sadd.s32 $0x6C600, s31  }
0xb: {  	s10 =	sadd.s32 s6, s4;
	s4 =	smax.u32 s30, $0x1;
	s6 =	sadd.s32 $0x57C600, s31  }
0xc: {  	s7 =	sadd.s32 $0x2000, s10;
	s8 =	sadd.s32 $0xC200, s10;
	s10 =	simm.s32 $0x80  }
.LBB2_1:
0xd: {  	s16 =	sadd.s32 $0x0, s8  }
0xe: {  	[tilespmem:s2], [sflag:$0x3] =	stream.linear.gather [hbm4b:s16+s2], $0x80, $0x38;
	[tilespmem:$0x8100] =	vst v63  }
0xf: {  	_ =	swait.ge [sflag:s9], $0x80  }
0x10: {  	[sflag:s9] =	ssyncset.done $0x0  }
0x11: {  	s31 =	sadd.s32 $0x0, s7;
	[sflag:s9] =	ssyncadd.s32 $0xFFFFFF80  }
0x12: {  	[tilespmem:s10], [sflag:$0x3] =	stream.linear.gather [hbm4b:s31+s2], $0x80, $0x38;
	[tilespmem:$0x8100] =	vst v63  }
0x13: {  	_ =	swait.ge [sflag:s9], $0x80  }
0x14: {  	[sflag:s9] =	ssyncset.done $0x0  }
0x15: {  	[sflag:s9] =	ssyncadd.s32 $0xFFFFFF80  }
0x16: {  	[tilespmem:s11], [sflag:$0x1] =	stream.indirect.gather [hbm4b:s3+s10], $0x80, s2, s10, $0xb8;
	[tilespmem:$0x8100] =	vst v63  }
0x17: {  	_ = 	snop  }
0x18: {  	[tilespmem:s12], [sflag:$0x2] =	stream.indirect.gather [hbm4b:s3+s10], $0x80, s10, s10, $0xb8;
	[tilespmem:$0x8100] =	vst v63  }
0x19: {  	_ =	swait.ge [sflag:s13], $0x4000  }
0x1a: {  	[sflag:s13] =	ssyncset.done $0x0  }
0x1b: {  	[sflag:s13] =	ssyncadd.s32 $0xFFFFC000  }
0x1c: {  	_ =	swait.ge [sflag:s14], $0x4000  }
0x1d: {  	[sflag:s14] =	ssyncset.done $0x0  }
0x1e: {  	[sflag:s14] =	ssyncadd.s32 $0xFFFFC000  }
0x1f: {  	[hbm4b:s5+s2] =	stream.linear.scatter [tilespmem:s11], [sflag:$0x3], $0x4000, $0x38;
	[tilespmem:$0x8100] =	vst v63  }
0x20: {  	_ =	swait.ge [sflag:s9], $0x4000  }
0x21: {  	[sflag:s9] =	ssyncset.done $0x0  }
0x22: {  	[sflag:s9] =	ssyncadd.s32 $0xFFFFC000  }
0x23: {  	[hbm4b:s6+s2] =	stream.linear.scatter [tilespmem:s12], [sflag:$0x3], $0x4000, $0x38;
	[tilespmem:$0x8100] =	vst v63  }
0x24: {  	s18 =	simm.s32 $0x10;
	s19 =	simm.s32 $0x20;
	_ =	swait.ge [sflag:s9], $0x4000  }
0x25: {  	s17 =	sadd.s32 $0x800, s5;
	s16 =	sadd.s32 $0x800, s6;
	[sflag:s9] =	ssyncset.done $0x0  }
.LBB2_2:
0x26: {  	s20 =	sadd.s32 s18, s8  }
0x27: {  	[sflag:s9] =	ssyncadd.s32 $0xFFFFC000;
	s21 =	smov.u32 s19;
	s22 =	sadd.s32 $0x10, s19  }
0x28: {  	[tilespmem:s2], [sflag:$0x3] =	stream.linear.gather [hbm4b:s20+s2], $0x80, $0x38;
	[tilespmem:$0x8100] =	vst v63  }
0x29: {  	p0 =	sne.s32 s19, $0x500;
	_ =	swait.ge [sflag:s9], $0x80  }
0x2a: {  	[sflag:s9] =	ssyncset.done $0x0  }
0x2b: {  	s19 =	sadd.s32 s18, s7;
	s18 =	smov.u32 s21;
	[sflag:s9] =	ssyncadd.s32 $0xFFFFFF80  }
0x2c: {  	[tilespmem:s10], [sflag:$0x3] =	stream.linear.gather [hbm4b:s19+s2], $0x80, $0x38;
	[tilespmem:$0x8100] =	vst v63  }
0x2d: {  	_ =	swait.ge [sflag:s9], $0x80  }
0x2e: {  	[sflag:s9] =	ssyncset.done $0x0  }
0x2f: {  	[sflag:s9] =	ssyncadd.s32 $0xFFFFFF80  }
0x30: {  	[tilespmem:s11], [sflag:$0x1] =	stream.indirect.gather [hbm4b:s3+s10], $0x80, s2, s10, $0xb8;
	[tilespmem:$0x8100] =	vst v63  }
0x31: {  	_ = 	snop  }
0x32: {  	[tilespmem:s12], [sflag:$0x2] =	stream.indirect.gather [hbm4b:s3+s10], $0x80, s10, s10, $0xb8;
	[tilespmem:$0x8100] =	vst v63  }
0x33: {  	_ =	swait.ge [sflag:s13], $0x4000  }
0x34: {  	[sflag:s13] =	ssyncset.done $0x0  }
0x35: {  	[sflag:s13] =	ssyncadd.s32 $0xFFFFC000  }
0x36: {  	_ =	swait.ge [sflag:s14], $0x4000  }
0x37: {  	[sflag:s14] =	ssyncset.done $0x0  }
0x38: {  	[sflag:s14] =	ssyncadd.s32 $0xFFFFC000  }
0x39: {  	[hbm4b:s17+s2] =	stream.linear.scatter [tilespmem:s11], [sflag:$0x3], $0x4000, $0x38;
	[tilespmem:$0x8100] =	vst v63  }
0x3a: {  	_ =	swait.ge [sflag:s9], $0x4000  }
.Ltmp0:
0x3b: {  	[sflag:s9] =	ssyncset.done $0x0;
	(pc) =	sbr.rel @p0 .LBB2_2-.Ltmp0, $4  }
0x3c: {  	[sflag:s9] =	ssyncadd.s32 $0xFFFFC000  }
0x3d: {  	[hbm4b:s16+s2] =	stream.linear.scatter [tilespmem:s12], [sflag:$0x3], $0x4000, $0x38;
	[tilespmem:$0x8100] =	vst v63  }
0x3e: {  	s19 =	smov.u32 s22;
	_ =	swait.ge [sflag:s9], $0x4000  }
0x3f: {  	s17 =	sadd.s32 $0x800, s17;
	s16 =	sadd.s32 $0x800, s16;
	[sflag:s9] =	ssyncset.done $0x0  }
0x40: {  	s19 =	sadd.s32 s18, s8;
	[sflag:s9] =	ssyncadd.s32 $0xFFFFC000  }
0x41: {  	[tilespmem:s2], [sflag:$0x3] =	stream.linear.gather [hbm4b:s19+s2], $0x80, $0x38;
	[tilespmem:$0x8100] =	vst v63  }
0x42: {  	_ =	swait.ge [sflag:s9], $0x80  }
0x43: {  	[sflag:s9] =	ssyncset.done $0x0  }
0x44: {  	s31 =	sadd.s32 s18, s7;
	[sflag:s9] =	ssyncadd.s32 $0xFFFFFF80  }
0x45: {  	[tilespmem:s10], [sflag:$0x3] =	stream.linear.gather [hbm4b:s31+s2], $0x80, $0x38;
	[tilespmem:$0x8100] =	vst v63  }
0x46: {  	_ =	swait.ge [sflag:s9], $0x80  }
0x47: {  	[sflag:s9] =	ssyncset.done $0x0  }
0x48: {  	[sflag:s9] =	ssyncadd.s32 $0xFFFFFF80  }
0x49: {  	[tilespmem:s11], [sflag:$0x1] =	stream.indirect.gather [hbm4b:s3+s10], $0x80, s2, s10, $0xb8;
	[tilespmem:$0x8100] =	vst v63  }
0x4a: {  	_ = 	snop  }
0x4b: {  	[tilespmem:s12], [sflag:$0x2] =	stream.indirect.gather [hbm4b:s3+s10], $0x80, s10, s10, $0xb8;
	[tilespmem:$0x8100] =	vst v63  }
0x4c: {  	_ =	swait.ge [sflag:s13], $0x4000  }
0x4d: {  	[sflag:s13] =	ssyncset.done $0x0  }
0x4e: {  	[sflag:s13] =	ssyncadd.s32 $0xFFFFC000  }
0x4f: {  	_ =	swait.ge [sflag:s14], $0x4000  }
0x50: {  	[sflag:s14] =	ssyncset.done $0x0  }
0x51: {  	[sflag:s14] =	ssyncadd.s32 $0xFFFFC000  }
0x52: {  	[hbm4b:s17+s2] =	stream.linear.scatter [tilespmem:s11], [sflag:$0x3], $0x4000, $0x38;
	[tilespmem:$0x8100] =	vst v63  }
0x53: {  	s15 =	sadd.s32 $0x1, s15;
	_ =	swait.ge [sflag:s9], $0x4000  }
0x54: {  	p0 =	sne.s32 s15, s4;
	[sflag:s9] =	ssyncset.done $0x0  }
.Ltmp1:
0x55: {  	[sflag:s9] =	ssyncadd.s32 $0xFFFFC000;
	(pc) =	sbr.rel @p0 .LBB2_1-.Ltmp1, $4  }
0x56: {  	[hbm4b:s16+s2] =	stream.linear.scatter [tilespmem:s12], [sflag:$0x3], $0x4000, $0x38;
	[tilespmem:$0x8100] =	vst v63  }
0x57: {  	_ =	swait.ge [sflag:s9], $0x4000  }
0x58: {  	[sflag:s9] =	ssyncset.done $0x0  }
0x59: {  	[sflag:s9] =	ssyncadd.s32 $0xFFFFC000  }
0x5a: {  	_ =	sfence.sel $0x180000  }
0x5b: {  	[bflag:$0x0] =	sbarrier.arrive $0xFFFF  }
0x5c: {  	p0 =	sne.s32 s1, $0x0;
	_ =	strace $0x9000004D  }
0x5d: {  	s0 =	sadd.s32 @!p0 $0x100000, s0;
	[bflag:$0x2] =	sbarrier.arrive $0xFFFF  }
0x5e: {  	[sflag:s0] =	ssyncadd.tile.s32 @!p0 $0x1;
	_ =	shalt  }
.Lfunc_end2:
_tile_overlayer_lowered:
.L_overlay_start_2:
0x5f: {  	(tag) =	ssettag $0x2  }
0x60: {  	s0 =	rddreg [dreg:$0x0];
	s2 =	stileid.u32  }
0x61: {  	s1 =	rddreg [dreg:$0x1];
	p0 =	sne.s32 s2, $0x0  }
0x62: {  	s3 =	rddreg [dreg:$0x2];
	[bflag:$0x3] =	sbarrier.arrive $0xFFFF;
	s2 =	simm.s32 @!p0 $0x1C03  }
0x63: {  	[timem:s3], [sflag:s2] =	dma.local @!p0 [hbm:s0], s1  }
0x64: {  	s0 =	simm.s32 @!p0 $0x3  }
0x65: {  	_ =	swait.ge @!p0 [sflag:s0], s1  }
0x66: {  	s1 =	ssub.s32 @!p0 $0x0, s1;
	[sflag:s0] =	ssyncset.done @!p0 $0x0  }
0x67: {  	[sflag:s0] =	ssyncadd.s32 @!p0 s1  }
0x68: {  	[bflag:$0x3] =	sbarrier.arrive $0xFFFF  }
0x69: {  	_ =	shalt  }

// kernel: kernel.20.cloned.1.call-start
scs
__scs_entry_jumppad:
0x0: {  	(pc) =	sbr.rel $0x88, $3  }
0x1: {  	(tag) =	ssettag $0x0;
	lr =	simm.s32 $0x1  }
0x2: {  	[smem:$0x3F93] =	sst lr;
	_ =	strace $0xD0000000  }
0x3: {  	_ = 	snop  }
0x4: {  	_ = 	snop  }
0x5: {  	_ = 	snop  }
0x6: {  	_ = 	snop  }
0x7: {  	_ = 	snop  }
__scs_overlays_trampoline_lowered:
0x8: {  	[smem:$0x3FA2] =	sst s0  }
0x9: {  	[smem:$0x3FA3] =	sst s1  }
0xa: {  	[smem:$0x3FA4] =	sst s2  }
0xb: {  	[smem:$0x3FA5] =	sst s3  }
0xc: {  	[smem:$0x3FA6] =	sst s4  }
0xd: {  	[smem:$0x3FA7] =	sst s5  }
0xe: {  	[smem:$0x3FA8] =	sst s6  }
0xf: {  	[smem:$0x3FA9] =	sst s7  }
0x10: {  	[smem:$0x3FAA] =	sst s8  }
0x11: {  	[smem:$0x3FAB] =	sst s9;
	s0 =	simm.s32 @!p0 $0x0  }
0x12: {  	s1 =	sld [smem:$0x3F91];
	s0 =	simm.s32 @p0 $0x1  }
0x13: {  	[smem:$0x3FAC] =	sst s0;
	s0 =	simm.s32 @!p1 $0x0  }
0x14: {  	s2 =	sld [smem:$0x3F90];
	s0 =	simm.s32 @p1 $0x1  }
0x15: {  	[smem:$0x3FAD] =	sst s0;
	s0 =	simm.s32 @!p2 $0x0  }
0x16: {  	s3 =	sld [smem:$0x3FDB];
	s0 =	simm.s32 @p2 $0x1  }
0x17: {  	s4 =	simm.s32 $0x1BF5;
	[smem:$0x3FAF] =	sst s0  }
0x18: {  	s0 =	sld [smem:$0x3F92];
	_ =	swait.ge [sflag:s4], $0x0  }
0x19: {  	s7 =	sld [smem:$0x3F93]  }
0x1a: {  	s8 =	sadd.s32 $0xFFFFE003, lr  }
0x1b: {  	s9 =	sadd.s32 $0xFFFFFEF7, lr;
	s5 =	simm.s32 $0xFFFFFFFF;
	p2 =	slt.u32 s8, $0xFFFFF086  }
0x1c: {  	p1 =	slt.u32 s9, $0xF7A;
	s5 =	simm.s32 @!p2 $0x0  }
0x1d: {  	s5 =	simm.s32 @p1 $0x1;
	p0 =	seq.s32 s7, s2  }
0x1e: {  	s7 =	smul.u32 @!p0 $0xF7A, s2;
	p2 =	seq.s32 @!p0 s5, $0x0  }
0x1f: {  	s9 =	smul.u32 $0xF7A, s1;
	s8 =	simm.s32 @!p0 $0x1BF5;
	p2 =	por !p2, p0  }
0x20: {  	[sflag:s8] =	ssyncset.s32 @!p0 $0xFFFFF086;
	s6 =	sadd.s32 @!p0 s3, s7;
	s7 =	simm.s32 @!p0 $0x108  }
0x21: {  	s3 =	sadd.s32 s3, s9;
	s6 =	sadd.s32 @!p0 $0x88, s6;
	s7 =	simm.s32 @p2 $0x1082  }
0x22: {  	[simem:s7], [sflag:s8] =	dma.local @!p0 [hbm:s6], $0xF7A  }
0x23: {  	s9 =	sor.u32 $0xD0000000, s2;
	s6 =	simm.s32 $0x108;
	_ =	swait.ge @!p0 [sflag:s8], $0x0  }
0x24: {  	s3 =	sadd.s32 $0x88, s3;
	s6 =	simm.s32 @!p1 $0x1082;
	[sflag:s4] =	ssyncset.s32 $0xFFFFF086  }
0x25: {  	[simem:s6], [sflag:s4] =	dma.local [hbm:s3], $0xF7A  }
0x26: {  	[smem:$0x3F93] =	sst s1;
	(tag) =	ssettag s2;
	_ =	strace s9  }
0x27: {  	s1 =	sld [smem:$0x3FA3]  }
0x28: {  	s2 =	sld [smem:$0x3FA4]  }
0x29: {  	s4 =	sld [smem:$0x3FA6]  }
0x2a: {  	p0 =	seq.s32 s5, $0x0;
	s5 =	sld [smem:$0x3FA7]  }
0x2b: {  	s6 =	sld [smem:$0x3FA8]  }
0x2c: {  	s7 =	sld [smem:$0x3FA9]  }
0x2d: {  	s3 =	simm.s32 $0x108;
	s8 =	sld [smem:$0x3FAA]  }
0x2e: {  	s3 =	simm.s32 @!p0 $0x1082;
	s9 =	sld [smem:$0x3FAB]  }
0x2f: {  	lr =	sadd.s32 s0, s3;
	s0 =	sld [smem:$0x3FA2]  }
0x30: {  	s3 =	sld [smem:$0x3FA5]  }
0x31: {  	[smem:$0x3FAE] =	sst s10  }
0x32: {  	s10 =	sld [smem:$0x3FAC];
	_ =	sdelay $0x3  }
0x33: {  	p0 =	seq.s32 s10, $0x1;
	s10 =	sld [smem:$0x3FAE];
	_ =	sdelay $0x3  }
0x34: {  	[smem:$0x3FAE] =	sst s10  }
0x35: {  	s10 =	sld [smem:$0x3FAD];
	_ =	sdelay $0x3  }
0x36: {  	p1 =	seq.s32 s10, $0x1;
	s10 =	sld [smem:$0x3FAE];
	_ =	sdelay $0x3  }
0x37: {  	[smem:$0x3FAE] =	sst s10  }
0x38: {  	s10 =	sld [smem:$0x3FAF]  }
0x39: {  	_ = 	snop;
	(pc) =	sbr.ind lr, $3  }
0x3a: {  	_ = 	snop  }
0x3b: {  	_ = 	snop  }
0x3c: {  	p2 =	seq.s32 s10, $0x1;
	s10 =	sld [smem:$0x3FAE]  }
0x3d: {  	_ =	shalt  }
0x3e: {  	_ =	shalt  }
0x3f: {  	_ =	shalt  }
0x40: {  	_ =	shalt  }
0x41: {  	_ =	shalt  }
0x42: {  	_ =	shalt  }
0x43: {  	_ =	shalt  }
0x44: {  	_ =	shalt  }
0x45: {  	_ =	shalt  }
0x46: {  	_ =	shalt  }
0x47: {  	_ =	shalt  }
0x48: {  	_ =	shalt  }
0x49: {  	_ =	shalt  }
0x4a: {  	_ =	shalt  }
0x4b: {  	_ =	shalt  }
0x4c: {  	_ =	shalt  }
0x4d: {  	_ =	shalt  }
0x4e: {  	_ =	shalt  }
0x4f: {  	_ =	shalt  }
0x50: {  	_ =	shalt  }
0x51: {  	_ =	shalt  }
0x52: {  	_ =	shalt  }
0x53: {  	_ =	shalt  }
0x54: {  	_ =	shalt  }
0x55: {  	_ =	shalt  }
0x56: {  	_ =	shalt  }
0x57: {  	_ =	shalt  }
0x58: {  	_ =	shalt  }
0x59: {  	_ =	shalt  }
0x5a: {  	_ =	shalt  }
0x5b: {  	_ =	shalt  }
0x5c: {  	_ =	shalt  }
0x5d: {  	_ =	shalt  }
0x5e: {  	_ =	shalt  }
0x5f: {  	_ =	shalt  }
0x60: {  	_ =	shalt  }
0x61: {  	_ =	shalt  }
0x62: {  	_ =	shalt  }
0x63: {  	_ =	shalt  }
0x64: {  	_ =	shalt  }
0x65: {  	_ =	shalt  }
0x66: {  	_ =	shalt  }
0x67: {  	_ =	shalt  }
0x68: {  	_ =	shalt  }
0x69: {  	_ =	shalt  }
0x6a: {  	_ =	shalt  }
0x6b: {  	_ =	shalt  }
0x6c: {  	_ =	shalt  }
0x6d: {  	_ =	shalt  }
0x6e: {  	_ =	shalt  }
0x6f: {  	_ =	shalt  }
0x70: {  	_ =	shalt  }
0x71: {  	_ =	shalt  }
0x72: {  	_ =	shalt  }
0x73: {  	_ =	shalt  }
0x74: {  	_ =	shalt  }
0x75: {  	_ =	shalt  }
0x76: {  	_ =	shalt  }
0x77: {  	_ =	shalt  }
0x78: {  	_ =	shalt  }
0x79: {  	_ =	shalt  }
0x7a: {  	_ =	shalt  }
0x7b: {  	_ =	shalt  }
0x7c: {  	_ =	shalt  }
0x7d: {  	_ =	shalt  }
0x7e: {  	_ =	shalt  }
0x7f: {  	_ =	shalt  }
0x80: {  	_ =	shalt  }
0x81: {  	_ =	shalt  }
0x82: {  	_ =	shalt  }
0x83: {  	_ =	shalt  }
0x84: {  	_ =	shalt  }
0x85: {  	_ =	shalt  }
0x86: {  	_ =	shalt  }
0x87: {  	_ =	shalt  }
.Lfunc_end0:
.L_simem_size_0:
called_computation.3_lowered:
.L_overlay_start_0:
0x88: {  	s2 =	sld [smem:$0x3FD9]  }
0x89: {  	s3 =	sld [smem:$0x3FFE];
	_ =	sdelay $0x1  }
0x8a: {  	s1 =	srdreg.scid  }
0x8b: {  	s0 =	sand.u32 $0x1, s1  }
0x8c: {  	s16 =	sshll.u32 s0, $0xA;
	s2 =	sadd.s32 s3, s2  }
0x8d: {  	s2 =	sadd.s32 s2, s16  }
0x8e: {  	[smem:$0x3FBA] =	sst s2  }
0x8f: {  	_ = 	snop  }
0x90: {  	(tm) =	ssettm $0x1  }
0x91: {  	s17 =	sld [smem:$0x3FFB];
	_ =	sdelay $0x3  }
0x92: {  	_ =	strace s17  }
0x93: {  	s2 =	sld [smem:$0x3FFC];
	_ =	sdelay $0x3  }
0x94: {  	_ =	strace s2  }
0x95: {  	s2 =	sld [smem:$0x3FFD];
	_ =	sdelay $0x3  }
0x96: {  	_ =	strace s2  }
0x97: {  	_ =	strace $0x8FFFFFFF  }
0x98: {  	s18 =	sld [smem:$0x3FDB];
	_ =	sdelay $0x1  }
0x99: {  	s19 =	simm.s32 $_scs_section_size  }
0x9a: {  	s4 =	simm.s32 $_size__tile_overlayer_lowered;
	s5 =	simm.s32 $_tile_overlayer_lowered  }
0x9b: {  	s22 =	simm.s32 $0x1BFF;
	s21 =	sshll.u32 s5, $0x1;
	s2 =	sadd.s32 s19, s18  }
0x9c: {  	s6 =	simm.s32 $0x0;
	s20 =	sshll.u32 s4, $0x1;
	s4 =	sadd.s32 s21, s2  }
0x9d: {  	[timem:s6], [sflag:s22] =	dma.local [hbm:s4], s20  }
0x9e: {  	_ =	swait.ge [sflag:s22], s20  }
0x9f: {  	s3 =	ssub.s32 $0x0, s20;
	[sflag:s22] =	ssyncset.done $0x0  }
0xa0: {  	[sflag:s22] =	ssyncadd.s32 s3;
	_ =	sdelay $0x1  }
0xa1: {  	s23 =	simm.s32 $0x1B8B  }
0xa2: {  	_ =	swait.ge [sflag:s23], $0x1  }
0xa3: {  	[sflag:s23] =	ssyncset.done $0x0  }
0xa4: {  	s25 =	simm.s32 $0x1B8E;
	s24 =	sld [smem:$0x3FFE];
	[sflag:s23] =	ssyncadd.s32 $0xFFFFFFFF  }
0xa5: {  	s26 =	simm.s32 $execute0_lowered;
	[smem:$0x3FD2] =	sst s25  }
0xa6: {  	s4 =	sshll.u32 s26, $0x1;
	_ =	strace $0x8000004F;
	[dreg:$0x1] =	wrdreg $0xFFFFFFFF  }
0xa7: {  	s28 =	simm.s32 $_size_execute0_lowered;
	s2 =	sadd.s32 s2, s4;
	[dreg:$0x0] =	wrdreg $0x0  }
0xa8: {  	s4 =	sshll.u32 s28, $0x1;
	[dreg:$0x2] =	wrdreg s2  }
0xa9: {  	[dreg:$0x3] =	wrdreg s4  }
0xaa: {  	[dreg:$0x4] =	wrdreg $0xC0  }
0xab: {  	_ =	task [dreg:s6], $0x5FFFF  }
0xac: {  	[dreg:$0x1] =	wrdreg $0xFFFFFFFF  }
0xad: {  	[dreg:$0x0] =	wrdreg $0x60  }
0xae: {  	[dreg:$0x2] =	wrdreg s24  }
0xaf: {  	[dreg:$0x3] =	wrdreg $0x40800  }
0xb0: {  	[dreg:$0x4] =	wrdreg $0x9  }
0xb1: {  	_ =	task.clear_ibuf [dreg:s6], $0x5FFFF;
	_ =	strace $0x9000004F  }
0xb2: {  	s29 =	simm.s32 $0x9;
	_ =	strace $0x80000051  }
0xb3: {  	_ =	swait.ge [sflag:s29], $0x1  }
0xb4: {  	[sflag:s29] =	ssyncadd.s32 $0xFFFFFFFF  }
0xb5: {  	_ =	strace $0x90000051  }
0xb6: {  	_ =	sfence  }
0xb7: {  	s30 =	sld [smem:$0x0];
	_ =	sdelay $0x2  }
0xb8: {  	s31 =	sshll.u32 s1, $0xD;
	s1 =	sshrl.u32 s1, $0x2  }
0xb9: {  	s3 =	sand.u32 $0x4000, s31;
	s1 =	sadd.s32 s1, s30  }
0xba: {  	s0 =	sor.u32 s3, s0;
	s1 =	sshll.u32 s1, $0x11  }
0xbb: {  	s0 =	sor.u32 s1, s0  }
0xbc: {  	s0 =	sadd.s32 $0x8F2B, s0  }
0xbd: {  	[sflag:s0] =	ssyncadd.remote.s32 $0x1  }
0xbe: {  	_ =	sfence.sel $0xFFFF  }
0xbf: {  	[dreg:$0x0] =	wrdreg $0xFFFFFFFF;
	(pc) =	sbr.abs _section_cstart, $3  }
0xc0: {  	[dreg:$0x1] =	wrdreg $0xFFFFFFFF  }
0xc1: {  	_ =	task.clear_ibuf [dreg:s6], $0x2FFFF;
	_ =	strace $0x9FFFFFFF  }
0xc2: {  	(tm) =	ssettm $0x7FFFFFFF  }
0xc3: {  	_ =	shalt  }
tec
execute0_lowered:
.L_overlay_start_1:
0x0: {  	(tag) =	ssettag $0x1  }
0x1: {  	s0 =	stileid.u32  }
0x2: {  	s6 =	smul.u32 $0x5100, s0  }
0x3: {  	s1 =	srdreg.scid;
	s8 =	smul.u32 $0x51000, s0  }
0x4: {  	s4 =	rddreg [dreg:$0x0];
	s25 =	smul.u32 $0x17800, s0  }
0x5: {  	s2 =	rddreg [dreg:$0x1];
	s5 =	sand.u32 $0x1, s1;
	s12 =	smul.u32 $0x5E000, s0  }
0x6: {  	s3 =	simm.s32 $0x0;
	s1 =	rddreg [dreg:$0x2];
	s7 =	smul.u32 $0x2880, s5  }
0x7: {  	[smem:$0x7FF] =	sst s3;
	s30 =	sshll.u32 s0, $0x6;
	s9 =	smul.u32 $0x178000, s5  }
0x8: {  	_ =	strace $0x80000050;
	s28 =	ssub.s32 $0x2, s5;
	s31 =	smul.u32 $0x28800, s5  }
0x9: {  	s5 =	sor.u32 $0x1C01, s30;
	s8 =	sadd.s32 s8, s4;
	s26 =	sshrl.u32 s25, $0x3  }
0xa: {  	s11 =	sshrl.u32 s28, $0x1;
	s29 =	sshrl.u32 s12, $0x2;
	s12 =	simm.s32 $0x80  }
0xb: {  	s6 =	sadd.s32 s7, s6;
	s7 =	sadd.s32 s25, s9;
	s9 =	ssub.s32 s28, s11  }
0xc: {  	s13 =	sadd.s32 s29, s2;
	s8 =	sadd.s32 s31, s8;
	s11 =	simm.s32 $0x1  }
0xd: {  	s6 =	sshrl.u32 s6, $0x3;
	s7 =	sshrl.u32 s7, $0x3;
	s8 =	sadd.s32 $0xA8C600, s8  }
0xe: {  	s10 =	sadd.s32 s6, s4;
	s6 =	sadd.s32 s26, s4;
	s7 =	sadd.s32 s7, s4  }
0xf: {  	s4 =	sadd.s32 $0x16400, s6;
	s6 =	sadd.s32 $0x45400, s7;
	s7 =	smax.u32 s9, $0x1  }
0x10: {  	s9 =	sadd.s32 $0x2000, s10;
	s10 =	sshrl.u32 s13, $0x3;
	s13 =	simm.s32 $0x0  }
.LBB2_1:
0x11: {  	[spmem:s10], [sflag:s5] =	dma.local [hbm:s4], $0x2F00  }
0x12: {  	_ =	swait.ge [sflag:s11], $0x2F00  }
0x13: {  	[sflag:s11] =	ssyncset.done $0x0  }
0x14: {  	[sflag:s11] =	ssyncadd.s32 $0xFFFFD100  }
0x15: {  	s14 =	sadd.s32 $0x0, s9;
	[bflag:$0x0] =	sbarrier.arrive $0xFFFF  }
0x16: {  	[tilespmem:s3], [sflag:$0x1] =	stream.linear.gather [hbm4b:s14+s3], $0x80, $0x38;
	[tilespmem:$0x1B880] =	vst v63  }
0x17: {  	_ =	swait.ge [sflag:s11], $0x80  }
0x18: {  	[sflag:s11] =	ssyncset.done $0x0  }
0x19: {  	[sflag:s11] =	ssyncadd.s32 $0xFFFFFF80  }
0x1a: {  	[tilespmem:s12], [sflag:$0x1] =	stream.linear.gather [hbm4b:s8+s3], $0x4000, $0x38;
	[tilespmem:$0x1B880] =	vst v63  }
0x1b: {  	_ =	swait.ge [sflag:s11], $0x4000  }
0x1c: {  	[sflag:s11] =	ssyncset.done $0x0  }
0x1d: {  	[sflag:s11] =	ssyncadd.s32 $0xFFFFC000  }
0x1e: {  	[spmem:s2] =	stream.indirect.scatter.add.f32 [tilespmem:s12], [sflag:$0x1], $0x80, s3, s12, $0xb8;
	[tilespmem:$0x1B880] =	vst v63  }
0x1f: {  	s15 =	simm.s32 $0x10;
	_ =	swait.ge [sflag:s11], $0x4000  }
0x20: {  	s16 =	simm.s32 $0x20;
	s14 =	sadd.s32 $0x800, s8;
	[sflag:s11] =	ssyncset.done $0x0  }
.LBB2_2:
0x21: {  	s17 =	sadd.s32 s15, s9  }
0x22: {  	[sflag:s11] =	ssyncadd.s32 $0xFFFFC000;
	s15 =	smov.u32 s16;
	s18 =	sadd.s32 $0x10, s16  }
0x23: {  	[tilespmem:s3], [sflag:$0x1] =	stream.linear.gather [hbm4b:s17+s3], $0x80, $0x38;
	[tilespmem:$0x1B880] =	vst v63  }
0x24: {  	p0 =	sne.s32 s16, $0x500;
	_ =	swait.ge [sflag:s11], $0x80  }
0x25: {  	[sflag:s11] =	ssyncset.done $0x0  }
0x26: {  	[sflag:s11] =	ssyncadd.s32 $0xFFFFFF80  }
0x27: {  	[tilespmem:s12], [sflag:$0x1] =	stream.linear.gather [hbm4b:s14+s3], $0x4000, $0x38;
	[tilespmem:$0x1B880] =	vst v63  }
0x28: {  	_ =	swait.ge [sflag:s11], $0x4000  }
.Ltmp0:
0x29: {  	[sflag:s11] =	ssyncset.done $0x0;
	(pc) =	sbr.rel @p0 .LBB2_2-.Ltmp0, $4  }
0x2a: {  	[sflag:s11] =	ssyncadd.s32 $0xFFFFC000  }
0x2b: {  	[spmem:s2] =	stream.indirect.scatter.add.f32 [tilespmem:s12], [sflag:$0x1], $0x80, s3, s12, $0xb8;
	[tilespmem:$0x1B880] =	vst v63  }
0x2c: {  	_ =	swait.ge [sflag:s11], $0x4000  }
0x2d: {  	s16 =	smov.u32 s18;
	s14 =	sadd.s32 $0x800, s14;
	[sflag:s11] =	ssyncset.done $0x0  }
0x2e: {  	s15 =	sadd.s32 s15, s9;
	[sflag:s11] =	ssyncadd.s32 $0xFFFFC000  }
0x2f: {  	[tilespmem:s3], [sflag:$0x1] =	stream.linear.gather [hbm4b:s15+s3], $0x80, $0x38;
	[tilespmem:$0x1B880] =	vst v63  }
0x30: {  	_ =	swait.ge [sflag:s11], $0x80  }
0x31: {  	[sflag:s11] =	ssyncset.done $0x0  }
0x32: {  	[sflag:s11] =	ssyncadd.s32 $0xFFFFFF80  }
0x33: {  	[tilespmem:s12], [sflag:$0x1] =	stream.linear.gather [hbm4b:s14+s3], $0x4000, $0x38;
	[tilespmem:$0x1B880] =	vst v63  }
0x34: {  	_ =	swait.ge [sflag:s11], $0x4000  }
0x35: {  	[sflag:s11] =	ssyncset.done $0x0  }
0x36: {  	[sflag:s11] =	ssyncadd.s32 $0xFFFFC000  }
0x37: {  	[spmem:s2] =	stream.indirect.scatter.add.f32 [tilespmem:s12], [sflag:$0x1], $0x80, s3, s12, $0xb8;
	[tilespmem:$0x1B880] =	vst v63  }
0x38: {  	_ =	swait.ge [sflag:s11], $0x4000  }
0x39: {  	s13 =	sadd.s32 $0x1, s13;
	[sflag:s11] =	ssyncset.done $0x0  }
0x3a: {  	p0 =	sne.s32 s13, s7;
	[sflag:s11] =	ssyncadd.s32 $0xFFFFC000  }
.Ltmp1:
0x3b: {  	[bflag:$0x0] =	sbarrier.arrive $0xFFFF;
	(pc) =	sbr.rel @p0 .LBB2_1-.Ltmp1, $4  }
0x3c: {  	[hbm:s6], [sflag:s5] =	dma.local [spmem:s10], $0x2F00  }
0x3d: {  	_ =	swait.ge [sflag:s11], $0x2F00  }
0x3e: {  	[sflag:s11] =	ssyncset.done $0x0  }
0x3f: {  	[sflag:s11] =	ssyncadd.s32 $0xFFFFD100  }
0x40: {  	_ =	sfence.sel $0x180000  }
0x41: {  	[bflag:$0x0] =	sbarrier.arrive $0xFFFF  }
0x42: {  	p0 =	sne.s32 s0, $0x0;
	_ =	strace $0x90000050  }
0x43: {  	s0 =	sadd.s32 @!p0 $0x100000, s1;
	[bflag:$0x2] =	sbarrier.arrive $0xFFFF  }
0x44: {  	[sflag:s0] =	ssyncadd.tile.s32 @!p0 $0x1;
	_ =	shalt  }
.Lfunc_end2:
_tile_overlayer_lowered:
.L_overlay_start_2:
0x45: {  	(tag) =	ssettag $0x2  }
0x46: {  	s0 =	rddreg [dreg:$0x0];
	s2 =	stileid.u32  }
0x47: {  	s1 =	rddreg [dreg:$0x1];
	p0 =	sne.s32 s2, $0x0  }
0x48: {  	s3 =	rddreg [dreg:$0x2];
	[bflag:$0x3] =	sbarrier.arrive $0xFFFF;
	s2 =	simm.s32 @!p0 $0x1C01  }
0x49: {  	[timem:s3], [sflag:s2] =	dma.local @!p0 [hbm:s0], s1  }
0x4a: {  	s0 =	simm.s32 @!p0 $0x1  }
0x4b: {  	_ =	swait.ge @!p0 [sflag:s0], s1  }
0x4c: {  	s1 =	ssub.s32 @!p0 $0x0, s1;
	[sflag:s0] =	ssyncset.done @!p0 $0x0  }
0x4d: {  	[sflag:s0] =	ssyncadd.s32 @!p0 s1  }
0x4e: {  	[bflag:$0x3] =	sbarrier.arrive $0xFFFF  }
0x4f: {  	_ =	shalt  }

</sc_bundles>
